<compile_context>
chip_gen: v7x
topology: tpu7x:2x2x1
jax: 0.10.2.dev20260603
libtpu: 0.0.44.dev20260713+nightly
codegen_flags: <defaults>
</compile_context>

<pallas_src>
import functools
import jax
import jax.numpy as jnp
from jax import lax
from jax.experimental import pallas as pl
from jax.experimental.pallas import tpu as pltpu, tpu_sc as plsc

N = 10000
E = 320000
F = 128
NC = 2
NS = 16
NW = NC * NS
EPW = E // NW
GB = 80
NCHUNK = EPW // GB
NPAD = 10240
NPT = NPAD // NS

_mesh = plsc.VectorSubcoreMesh(core_axis_name="c", subcore_axis_name="s")


@functools.partial(
    pl.kernel,
    out_type=(
        jax.ShapeDtypeStruct((E, F), jnp.float32),
        jax.ShapeDtypeStruct((E, F), jnp.float32),
    ),
    mesh=_mesh,
    scratch_types=[
        pltpu.VMEM((GB,), jnp.int32),
        pltpu.VMEM((GB,), jnp.int32),
        pltpu.VMEM((GB,), jnp.int32),
        pltpu.VMEM((GB,), jnp.int32),
        pltpu.VMEM((GB, F), jnp.float32),
        pltpu.VMEM((GB, F), jnp.float32),
        pltpu.VMEM((GB, F), jnp.float32),
        pltpu.VMEM((GB, F), jnp.float32),
        pltpu.SemaphoreType.DMA,
        pltpu.SemaphoreType.DMA,
        pltpu.SemaphoreType.DMA,
        pltpu.SemaphoreType.DMA,
    ],
)
def _sc_gather(tab_r, tab_c, row, col, gr, gc, idx_r0, idx_c0, idx_r1,
               idx_c1, buf_r0, buf_c0, buf_r1, buf_c1, sem_r0, sem_c0,
               sem_r1, sem_c1):
    cid = lax.axis_index("c")
    sid = lax.axis_index("s")
    base_w = (cid * NS + sid) * EPW

    def chunk(base, idx_r, idx_c, buf_r, buf_c, sem_r, sem_c):
        pltpu.sync_copy(row.at[pl.ds(base, GB)], idx_r)
        pltpu.sync_copy(col.at[pl.ds(base, GB)], idx_c)
        cp_r = pltpu.async_copy(tab_r.at[idx_r], buf_r, sem_r)
        cp_c = pltpu.async_copy(tab_c.at[idx_c], buf_c, sem_c)
        return cp_r, cp_c

    def drain(base, buf_r, buf_c, cps):
        cps[0].wait()
        cps[1].wait()
        pltpu.sync_copy(buf_r, gr.at[pl.ds(base, GB)])
        pltpu.sync_copy(buf_c, gc.at[pl.ds(base, GB)])

    def body(i, _):
        base_a = pl.multiple_of(base_w + (2 * i) * GB, GB)
        base_b = pl.multiple_of(base_w + (2 * i + 1) * GB, GB)
        cps_a = chunk(base_a, idx_r0, idx_c0, buf_r0, buf_c0, sem_r0, sem_c0)
        cps_b = chunk(base_b, idx_r1, idx_c1, buf_r1, buf_c1, sem_r1, sem_c1)
        drain(base_a, buf_r0, buf_c0, cps_a)
        drain(base_b, buf_r1, buf_c1, cps_b)
        return 0

    lax.fori_loop(0, NCHUNK // 2, body, 0)
    base_l = pl.multiple_of(base_w + (NCHUNK - 1) * GB, GB)
    cps_l = chunk(base_l, idx_r0, idx_c0, buf_r0, buf_c0, sem_r0, sem_c0)
    drain(base_l, buf_r0, buf_c0, cps_l)


@functools.partial(
    pl.kernel,
    out_type=jax.ShapeDtypeStruct((NC, NPAD, F), jnp.float32),
    mesh=_mesh,
    scratch_types=[
        pltpu.VMEM((GB,), jnp.int32),
        pltpu.VMEM((GB,), jnp.int32),
        pltpu.VMEM((GB, F), jnp.float32),
        pltpu.VMEM((GB, F), jnp.float32),
        pltpu.VMEM_SHARED((NPAD, F), jnp.float32),
        pltpu.SemaphoreType.DMA,
        pltpu.SemaphoreType.DMA,
    ],
)
def _sc_scatter(ne, col, zsum, psum, idx0, idx1, buf0, buf1, acc, sem0, sem1):
    cid = lax.axis_index("c")
    sid = lax.axis_index("s")
    nbase = pl.multiple_of(sid * NPT, NPT)
    buf = buf0

    def zinit(j, _):
        b = pl.multiple_of(nbase + j * GB, GB)
        pltpu.sync_copy(zsum.at[pl.ds(b, GB)], buf)
        pltpu.sync_copy(buf, acc.at[pl.ds(b, GB)])
        return 0

    lax.fori_loop(0, NPT // GB, zinit, 0)
    plsc.subcore_barrier()

    base_w = (cid * NS + sid) * EPW

    def start(base, idx_v, bufx, semx):
        pltpu.sync_copy(col.at[pl.ds(base, GB)], idx_v)
        return pltpu.async_copy(ne.at[pl.ds(base, GB)], bufx, semx)

    def finish(cp, idx_v, bufx):
        cp.wait()
        pltpu.sync_copy(bufx, acc.at[idx_v], add=True)

    def body(i, _):
        base_a = pl.multiple_of(base_w + (2 * i) * GB, GB)
        base_b = pl.multiple_of(base_w + (2 * i + 1) * GB, GB)
        cp_a = start(base_a, idx0, buf0, sem0)
        cp_b = start(base_b, idx1, buf1, sem1)
        finish(cp_a, idx0, buf0)
        finish(cp_b, idx1, buf1)
        return 0

    lax.fori_loop(0, NCHUNK // 2, body, 0)
    base_l = pl.multiple_of(base_w + (NCHUNK - 1) * GB, GB)
    finish(start(base_l, idx0, buf0, sem0), idx0, buf0)
    plsc.subcore_barrier()

    def wb(j, _):
        b = pl.multiple_of(nbase + j * GB, GB)
        pltpu.sync_copy(acc.at[pl.ds(b, GB)], buf)
        pltpu.sync_copy(buf, psum.at[cid, pl.ds(b, GB)])
        return 0

    lax.fori_loop(0, NPT // GB, wb, 0)


@functools.partial(
    pl.kernel,
    out_type=jax.ShapeDtypeStruct((NC, NPAD, F), jnp.float32),
    mesh=_mesh,
    scratch_types=[
        pltpu.VMEM((GB,), jnp.int32),
        pltpu.VMEM((GB,), jnp.int32),
        pltpu.VMEM((GB, F), jnp.float32),
        pltpu.VMEM((GB, F), jnp.float32),
        pltpu.VMEM_SHARED((NPAD, F), jnp.float32),
        pltpu.SemaphoreType.DMA,
        pltpu.SemaphoreType.DMA,
    ],
)
def _sc_count(col, zsum, ones, pcnt, idx0, idx1, buf, ones_v, acc, sem0,
              sem1):
    cid = lax.axis_index("c")
    sid = lax.axis_index("s")
    nbase = pl.multiple_of(sid * NPT, NPT)

    def zinit(j, _):
        b = pl.multiple_of(nbase + j * GB, GB)
        pltpu.sync_copy(zsum.at[pl.ds(b, GB)], buf)
        pltpu.sync_copy(buf, acc.at[pl.ds(b, GB)])
        return 0

    lax.fori_loop(0, NPT // GB, zinit, 0)
    pltpu.sync_copy(ones, ones_v)
    plsc.subcore_barrier()

    base_w = (cid * NS + sid) * EPW

    def body(i, _):
        base_a = pl.multiple_of(base_w + (2 * i) * GB, GB)
        base_b = pl.multiple_of(base_w + (2 * i + 1) * GB, GB)
        cp_a = pltpu.async_copy(col.at[pl.ds(base_a, GB)], idx0, sem0)
        cp_b = pltpu.async_copy(col.at[pl.ds(base_b, GB)], idx1, sem1)
        cp_a.wait()
        pltpu.sync_copy(ones_v, acc.at[idx0], add=True)
        cp_b.wait()
        pltpu.sync_copy(ones_v, acc.at[idx1], add=True)
        return 0

    lax.fori_loop(0, NCHUNK // 2, body, 0)
    base_l = pl.multiple_of(base_w + (NCHUNK - 1) * GB, GB)
    pltpu.sync_copy(col.at[pl.ds(base_l, GB)], idx0)
    pltpu.sync_copy(ones_v, acc.at[idx0], add=True)
    plsc.subcore_barrier()

    def wb(j, _):
        b = pl.multiple_of(nbase + j * GB, GB)
        pltpu.sync_copy(acc.at[pl.ds(b, GB)], buf)
        pltpu.sync_copy(buf, pcnt.at[cid, pl.ds(b, GB)])
        return 0

    lax.fori_loop(0, NPT // GB, wb, 0)


_PREC = lax.Precision.DEFAULT


def _dot(a, b):
    return jnp.dot(a, b, preferred_element_type=jnp.float32, precision=_PREC)


def _proj_body(x_ref, wa_ref, wb_ref, xr_ref, xc_ref):
    x = x_ref[...]
    xr_ref[...] = _dot(x, wa_ref[...])
    xc_ref[...] = _dot(x, wb_ref[...])


def _edge_body(gr_ref, gc_ref, ea_ref, w1_ref, b1_ref, w2_ref, b2_ref,
               w3_ref, b3_ref, w4_ref, b4_ref, ne_ref, eo_ref):
    ea = ea_ref[...]
    h = jnp.maximum(gr_ref[...] + gc_ref[...] + _dot(ea, w1_ref[...])
                    + b1_ref[...], 0.0)
    h = jnp.maximum(_dot(h, w2_ref[...]) + b2_ref[...], 0.0)
    h = jnp.maximum(_dot(h, w3_ref[...]) + b3_ref[...], 0.0)
    ne = _dot(h, w4_ref[...]) + b4_ref[...]
    ne_ref[...] = ne
    eo_ref[...] = ea + ne


def _node_body(x_ref, p0_ref, p1_ref, c0_ref, c1_ref, wa_ref, wb_ref, b1_ref,
               w2_ref, b2_ref, w3_ref, b3_ref, w4_ref, b4_ref, no_ref):
    x = x_ref[...]
    cnt = jnp.maximum(c0_ref[...][:, :1] + c1_ref[...][:, :1], 1.0)
    agg = (p0_ref[...] + p1_ref[...]) / cnt
    h = jnp.maximum(_dot(x, wa_ref[...]) + _dot(agg, wb_ref[...])
                    + b1_ref[...], 0.0)
    h = jnp.maximum(_dot(h, w2_ref[...]) + b2_ref[...], 0.0)
    h = jnp.maximum(_dot(h, w3_ref[...]) + b3_ref[...], 0.0)
    no_ref[...] = x + _dot(h, w4_ref[...]) + b4_ref[...]


def _wspec(shape):
    return pl.BlockSpec(shape, lambda i: (0,) * len(shape))


def kernel(x, edge_index, edge_attr, u, batch, We1, be1, We2, be2, We3, be3,
           We4, be4, Wn1, bn1, Wn2, bn2, Wn3, bn3, Wn4, bn4):
    row = edge_index[0]
    col = edge_index[1]

    BN = 1000
    xr, xc = pl.pallas_call(
        _proj_body,
        grid=(N // BN,),
        in_specs=[
            pl.BlockSpec((BN, F), lambda i: (i, 0)),
            _wspec((F, F)),
            _wspec((F, F)),
        ],
        out_specs=[
            pl.BlockSpec((BN, F), lambda i: (i, 0)),
            pl.BlockSpec((BN, F), lambda i: (i, 0)),
        ],
        out_shape=[
            jax.ShapeDtypeStruct((N, F), jnp.float32),
            jax.ShapeDtypeStruct((N, F), jnp.float32),
        ],
    )(x, We1[:F], We1[F:2 * F])

    gr, gc = _sc_gather(xr, xc, row, col)

    zsum = jnp.zeros((NPAD, F), jnp.float32)
    ones = jnp.ones((GB, F), jnp.float32)
    pcnt = _sc_count(col, zsum, ones)

    BE = 2000
    eb = pl.BlockSpec((BE, F), lambda i: (i, 0))
    bias = _wspec((1, F))
    ne, eout = pl.pallas_call(
        _edge_body,
        grid=(E // BE,),
        in_specs=[eb, eb, eb, _wspec((F, F)), bias, _wspec((F, F)), bias,
                  _wspec((F, F)), bias, _wspec((F, F)), bias],
        out_specs=[eb, eb],
        out_shape=[
            jax.ShapeDtypeStruct((E, F), jnp.float32),
            jax.ShapeDtypeStruct((E, F), jnp.float32),
        ],
    )(gr, gc, edge_attr, We1[2 * F:], be1[None], We2, be2[None], We3,
      be3[None], We4, be4[None])

    psum = _sc_scatter(ne, col, zsum)

    nb = pl.BlockSpec((BN, F), lambda i: (i, 0))
    nout = pl.pallas_call(
        _node_body,
        grid=(N // BN,),
        in_specs=[nb, nb, nb, nb, nb, _wspec((F, F)), _wspec((F, F)), bias,
                  _wspec((F, F)), bias, _wspec((F, F)), bias, _wspec((F, F)),
                  bias],
        out_specs=nb,
        out_shape=jax.ShapeDtypeStruct((N, F), jnp.float32),
    )(x, psum[0, :N], psum[1, :N], pcnt[0, :N], pcnt[1, :N], Wn1[:F],
      Wn1[F:], bn1[None], Wn2, bn2[None], Wn3, bn3[None], Wn4, bn4[None])

    return nout, eout

# --- scband reference (transcript-rebuilt; emitter-appended) ---
"""Pipeline reference for scband-graph-core-33054068310578 (READ-ONLY COPY).

The authoritative reference and input builder live on the scoring server;
editing this copy changes nothing except your own understanding.
"""

import jax, jax.numpy as jnp
import numpy as np

N = 10000
E = 320000
F = 128
H = 128

def _mlp(h, params):
    W1, b1, W2, b2, W3, b3, W4, b4 = params
    h = jax.nn.relu(h @ W1 + b1)
    h = jax.nn.relu(h @ W2 + b2)
    h = jax.nn.relu(h @ W3 + b3)
    return h @ W4 + b4

def setup_inputs(seed: int = 0):
    key = jax.random.key(seed)
    ks = jax.random.split(key, 24)
    inp = {}
    inp["x"] = jax.random.normal(ks[0], (N, F), jnp.float32)
    inp["edge_index"] = jax.random.randint(ks[1], (2, E), 0, N, jnp.int32)
    inp["edge_attr"] = jax.random.normal(ks[2], (E, F), jnp.float32)
    inp["u"] = jnp.zeros((1, F), jnp.float32)
    inp["batch"] = jnp.zeros((N,), jnp.int32)
    dims_e = [(3 * F, H), (H, H), (H, H), (H, F)]
    dims_n = [(2 * F, H), (H, H), (H, H), (H, F)]
    k = 3
    for i, (di, do) in enumerate(dims_e):
        inp["We%d" % (i + 1)] = jax.random.normal(ks[k], (di, do), jnp.float32) * (1.0 / np.sqrt(di))
        inp["be%d" % (i + 1)] = jnp.zeros((do,), jnp.float32)
        k += 1
    for i, (di, do) in enumerate(dims_n):
        inp["Wn%d" % (i + 1)] = jax.random.normal(ks[k], (di, do), jnp.float32) * (1.0 / np.sqrt(di))
        inp["bn%d" % (i + 1)] = jnp.zeros((do,), jnp.float32)
        k += 1
    return inp

def reference(x, edge_index, edge_attr, u, batch, We1, be1, We2, be2, We3, be3, We4, be4, Wn1, bn1, Wn2, bn2, Wn3, bn3, Wn4, bn4):
    row = edge_index[0]
    col = edge_index[1]
    # EdgeCoreModel: cat([src, dst, edge_attr]) -> 4-layer MLP
    e_in = jnp.concatenate([x[row], x[col], edge_attr], axis=1)
    new_e = _mlp(e_in, (We1, be1, We2, be2, We3, be3, We4, be4))
    # NodeCoreModel: scatter-mean of updated edge features onto dst nodes
    seg_sum = jax.ops.segment_sum(new_e, col, num_segments=x.shape[0])
    cnt = jax.ops.segment_sum(jnp.ones((col.shape[0],), jnp.float32), col, num_segments=x.shape[0])
    agg = seg_sum / jnp.clip(cnt, 1.0)[:, None]
    n_in = jnp.concatenate([x, agg], axis=1)
    new_x = _mlp(n_in, (Wn1, bn1, Wn2, bn2, Wn3, bn3, Wn4, bn4))
    # GraphCore: residual outputs (encoder called twice in torch but deterministic)
    return (x + new_x, edge_attr + new_e)

if __name__ == "__main__":
    import jax
    _d = setup_inputs()
    print(jax.jit(kernel)(*tuple(_d.values())))

</pallas_src>

<mosaic_0001>
#map = affine_map<(d0, d1) -> (0, 0)>
#map1 = affine_map<(d0, d1) -> (0)>
#map2 = affine_map<(d0, d1) -> (0, 0, 0)>
module attributes {stable_mosaic.version = 14 : i64} {
  func.func @_sc_scatter(%arg0: i32, %arg1: i32, %arg2: memref<320000x128xf32, #tpu.memory_space<hbm>>, %arg3: memref<320000xi32, #tpu.memory_space<hbm>>, %arg4: memref<10240x128xf32, #tpu.memory_space<hbm>>, %arg5: memref<2x10240x128xf32, #tpu.memory_space<hbm>>, %arg6: memref<80xi32, #tpu.memory_space<vmem>>, %arg7: memref<80xi32, #tpu.memory_space<vmem>>, %arg8: memref<80x128xf32, #tpu.memory_space<vmem>>, %arg9: memref<80x128xf32, #tpu.memory_space<vmem>>, %arg10: memref<10240x128xf32, #tpu.memory_space<vmem_shared>>, %arg11: memref<!tpu.dma_semaphore, #tpu.memory_space<semaphore_mem>>, %arg12: memref<!tpu.dma_semaphore, #tpu.memory_space<semaphore_mem>>) attributes {dimension_semantics = [#tpu.dimension_semantics<core_parallel>, #tpu.dimension_semantics<subcore_parallel>], iteration_bounds = array<i64: 2, 16>, scalar_prefetch = 0 : i64, scratch_operands = 7 : i64, tpu.core_type = #tpu.core_type<sc_vector_subcore>, window_params = [{transform_indices = #map}, {transform_indices = #map1}, {transform_indices = #map}, {transform_indices = #map2}]} {
    %mul3A = arith.constant 640 : i32
    %mul3A_0 = arith.muli %arg1, %mul3A : i32
    %multiple_of3A = tpu.assume_multiple %mul3A_0, 640 : i32
    %scan3A = arith.constant 0 : i32
    %scan3A_1 = arith.constant 0 : i32
    %scan3A_2 = arith.constant 8 : i32
    %scan3A_3 = arith.addi %scan3A_1, %scan3A_2 : i32
    %scan3A_4 = arith.constant 1 : i32
    %scan3A_5 = scf.for %scan3A_35 = %scan3A_1 to %scan3A_3 step %scan3A_4 iter_args(%scan3A_36 = %scan3A) -> (i32)  : i32 {
      %mul3A_37 = arith.constant 80 : i32
      %mul3A_38 = arith.muli %scan3A_35, %mul3A_37 : i32
      %add3A_39 = arith.addi %multiple_of3A, %mul3A_38 : i32
      %multiple_of3A_40 = tpu.assume_multiple %add3A_39, 80 : i32
      "tpu.region"() ({
        %run_scoped3A = tpu.sem_alloc : memref<!tpu.dma_semaphore, #tpu.memory_space<semaphore_mem>>
        %dma_start3A_42 = arith.constant 0 : i32
        %dma_start3A_43 = tpu.memref_slice %arg4[%multiple_of3A_40, %dma_start3A_42] : memref<10240x128xf32, #tpu.memory_space<hbm>> -> memref<80x128xf32, #tpu.memory_space<hbm>>
        %dma_start3A_44 = arith.constant 0 : i32
        %dma_start3A_45 = tpu.memref_slice %arg4[%multiple_of3A_40, %dma_start3A_44] : memref<10240x128xf32, #tpu.memory_space<hbm>> -> memref<80x128xf32, #tpu.memory_space<hbm>>
        tpu.enqueue_dma source(%dma_start3A_45 : memref<80x128xf32, #tpu.memory_space<hbm>>) target(%arg8 : memref<80x128xf32, #tpu.memory_space<vmem>>) target_semaphore(%run_scoped3A : memref<!tpu.dma_semaphore, #tpu.memory_space<semaphore_mem>>)
        %dma_wait3A_46 = arith.constant 0 : i32
        %dma_wait3A_47 = tpu.memref_slice %arg4[%multiple_of3A_40, %dma_wait3A_46] : memref<10240x128xf32, #tpu.memory_space<hbm>> -> memref<80x128xf32, #tpu.memory_space<hbm>>
        %dma_wait3A_48 = arith.constant 0 : i32
        %dma_wait3A_49 = tpu.memref_slice %arg4[%multiple_of3A_40, %dma_wait3A_48] : memref<10240x128xf32, #tpu.memory_space<hbm>> -> memref<80x128xf32, #tpu.memory_space<hbm>>
        tpu.wait_dma2 semaphore(%run_scoped3A : memref<!tpu.dma_semaphore, #tpu.memory_space<semaphore_mem>>) src(%dma_wait3A_49 : memref<80x128xf32, #tpu.memory_space<hbm>>) dst(%arg8 : memref<80x128xf32, #tpu.memory_space<vmem>>)
        tpu.yield
      }) : () -> ()
      "tpu.region"() ({
        %run_scoped3A = tpu.sem_alloc : memref<!tpu.dma_semaphore, #tpu.memory_space<semaphore_mem>>
        %dma_start3A_42 = arith.constant 0 : i32
        %dma_start3A_43 = tpu.memref_slice %arg10[%multiple_of3A_40, %dma_start3A_42] : memref<10240x128xf32, #tpu.memory_space<vmem_shared>> -> memref<80x128xf32, #tpu.memory_space<vmem_shared>>
        %dma_start3A_44 = arith.constant 0 : i32
        %dma_start3A_45 = tpu.memref_slice %arg10[%multiple_of3A_40, %dma_start3A_44] : memref<10240x128xf32, #tpu.memory_space<vmem_shared>> -> memref<80x128xf32, #tpu.memory_space<vmem_shared>>
        tpu.enqueue_dma source(%arg8 : memref<80x128xf32, #tpu.memory_space<vmem>>) target(%dma_start3A_45 : memref<80x128xf32, #tpu.memory_space<vmem_shared>>) target_semaphore(%run_scoped3A : memref<!tpu.dma_semaphore, #tpu.memory_space<semaphore_mem>>)
        %dma_wait3A_46 = arith.constant 0 : i32
        %dma_wait3A_47 = tpu.memref_slice %arg10[%multiple_of3A_40, %dma_wait3A_46] : memref<10240x128xf32, #tpu.memory_space<vmem_shared>> -> memref<80x128xf32, #tpu.memory_space<vmem_shared>>
        %dma_wait3A_48 = arith.constant 0 : i32
        %dma_wait3A_49 = tpu.memref_slice %arg10[%multiple_of3A_40, %dma_wait3A_48] : memref<10240x128xf32, #tpu.memory_space<vmem_shared>> -> memref<80x128xf32, #tpu.memory_space<vmem_shared>>
        tpu.wait_dma2 semaphore(%run_scoped3A : memref<!tpu.dma_semaphore, #tpu.memory_space<semaphore_mem>>) src(%arg8 : memref<80x128xf32, #tpu.memory_space<vmem>>) dst(%dma_wait3A_49 : memref<80x128xf32, #tpu.memory_space<vmem_shared>>)
        tpu.yield
      }) : () -> ()
      %scan3A_41 = arith.constant 0 : i32
      scf.yield %scan3A_41 : i32
    }
    %scan3A_6 = arith.constant 8 : i32
    %barrier3A = arith.constant 0 : index
    tpu.barrier barrier_id(%barrier3A)
    %mul3A_7 = arith.constant 16 : i32
    %mul3A_8 = arith.muli %arg0, %mul3A_7 : i32
    %add3A = arith.addi %mul3A_8, %arg1 : i32
    %mul3A_9 = arith.constant 10000 : i32
    %mul3A_10 = arith.muli %add3A, %mul3A_9 : i32
    %scan3A_11 = arith.constant 0 : i32
    %scan3A_12 = arith.constant 0 : i32
    %scan3A_13 = arith.constant 62 : i32
    %scan3A_14 = arith.addi %scan3A_12, %scan3A_13 : i32
    %scan3A_15 = arith.constant 1 : i32
    %scan3A_16 = scf.for %scan3A_35 = %scan3A_12 to %scan3A_14 step %scan3A_15 iter_args(%scan3A_36 = %scan3A_11) -> (i32)  : i32 {
      %mul3A_37 = arith.constant 2 : i32
      %mul3A_38 = arith.muli %mul3A_37, %scan3A_35 : i32
      %mul3A_39 = arith.constant 80 : i32
      %mul3A_40 = arith.muli %mul3A_38, %mul3A_39 : i32
      %add3A_41 = arith.addi %mul3A_10, %mul3A_40 : i32
      %multiple_of3A_42 = tpu.assume_multiple %add3A_41, 80 : i32
      %mul3A_43 = arith.constant 2 : i32
      %mul3A_44 = arith.muli %mul3A_43, %scan3A_35 : i32
      %add3A_45 = arith.constant 1 : i32
      %add3A_46 = arith.addi %mul3A_44, %add3A_45 : i32
      %mul3A_47 = arith.constant 80 : i32
      %mul3A_48 = arith.muli %add3A_46, %mul3A_47 : i32
      %add3A_49 = arith.addi %mul3A_10, %mul3A_48 : i32
      %multiple_of3A_50 = tpu.assume_multiple %add3A_49, 80 : i32
      "tpu.region"() ({
        %run_scoped3A = tpu.sem_alloc : memref<!tpu.dma_semaphore, #tpu.memory_space<semaphore_mem>>
        %dma_start3A_68 = tpu.memref_slice %arg3[%multiple_of3A_42] : memref<320000xi32, #tpu.memory_space<hbm>> -> memref<80xi32, #tpu.memory_space<hbm>>
        %dma_start3A_69 = tpu.memref_slice %arg3[%multiple_of3A_42] : memref<320000xi32, #tpu.memory_space<hbm>> -> memref<80xi32, #tpu.memory_space<hbm>>
        tpu.enqueue_dma source(%dma_start3A_69 : memref<80xi32, #tpu.memory_space<hbm>>) target(%arg6 : memref<80xi32, #tpu.memory_space<vmem>>) target_semaphore(%run_scoped3A : memref<!tpu.dma_semaphore, #tpu.memory_space<semaphore_mem>>)
        %dma_wait3A_70 = tpu.memref_slice %arg3[%multiple_of3A_42] : memref<320000xi32, #tpu.memory_space<hbm>> -> memref<80xi32, #tpu.memory_space<hbm>>
        %dma_wait3A_71 = tpu.memref_slice %arg3[%multiple_of3A_42] : memref<320000xi32, #tpu.memory_space<hbm>> -> memref<80xi32, #tpu.memory_space<hbm>>
        tpu.wait_dma2 semaphore(%run_scoped3A : memref<!tpu.dma_semaphore, #tpu.memory_space<semaphore_mem>>) src(%dma_wait3A_71 : memref<80xi32, #tpu.memory_space<hbm>>) dst(%arg6 : memref<80xi32, #tpu.memory_space<vmem>>)
        tpu.yield
      }) : () -> ()
      %dma_start3A_51 = arith.constant 0 : i32
      %dma_start3A_52 = tpu.memref_slice %arg2[%multiple_of3A_42, %dma_start3A_51] : memref<320000x128xf32, #tpu.memory_space<hbm>> -> memref<80x128xf32, #tpu.memory_space<hbm>>
      %dma_start3A_53 = arith.constant 0 : i32
      %dma_start3A_54 = tpu.memref_slice %arg2[%multiple_of3A_42, %dma_start3A_53] : memref<320000x128xf32, #tpu.memory_space<hbm>> -> memref<80x128xf32, #tpu.memory_space<hbm>>
      tpu.enqueue_dma source(%dma_start3A_54 : memref<80x128xf32, #tpu.memory_space<hbm>>) target(%arg8 : memref<80x128xf32, #tpu.memory_space<vmem>>) target_semaphore(%arg11 : memref<!tpu.dma_semaphore, #tpu.memory_space<semaphore_mem>>)
      "tpu.region"() ({
        %run_scoped3A = tpu.sem_alloc : memref<!tpu.dma_semaphore, #tpu.memory_space<semaphore_mem>>
        %dma_start3A_68 = tpu.memref_slice %arg3[%multiple_of3A_50] : memref<320000xi32, #tpu.memory_space<hbm>> -> memref<80xi32, #tpu.memory_space<hbm>>
        %dma_start3A_69 = tpu.memref_slice %arg3[%multiple_of3A_50] : memref<320000xi32, #tpu.memory_space<hbm>> -> memref<80xi32, #tpu.memory_space<hbm>>
        tpu.enqueue_dma source(%dma_start3A_69 : memref<80xi32, #tpu.memory_space<hbm>>) target(%arg7 : memref<80xi32, #tpu.memory_space<vmem>>) target_semaphore(%run_scoped3A : memref<!tpu.dma_semaphore, #tpu.memory_space<semaphore_mem>>)
        %dma_wait3A_70 = tpu.memref_slice %arg3[%multiple_of3A_50] : memref<320000xi32, #tpu.memory_space<hbm>> -> memref<80xi32, #tpu.memory_space<hbm>>
        %dma_wait3A_71 = tpu.memref_slice %arg3[%multiple_of3A_50] : memref<320000xi32, #tpu.memory_space<hbm>> -> memref<80xi32, #tpu.memory_space<hbm>>
        tpu.wait_dma2 semaphore(%run_scoped3A : memref<!tpu.dma_semaphore, #tpu.memory_space<semaphore_mem>>) src(%dma_wait3A_71 : memref<80xi32, #tpu.memory_space<hbm>>) dst(%arg7 : memref<80xi32, #tpu.memory_space<vmem>>)
        tpu.yield
      }) : () -> ()
      %dma_start3A_55 = arith.constant 0 : i32
      %dma_start3A_56 = tpu.memref_slice %arg2[%multiple_of3A_50, %dma_start3A_55] : memref<320000x128xf32, #tpu.memory_space<hbm>> -> memref<80x128xf32, #tpu.memory_space<hbm>>
      %dma_start3A_57 = arith.constant 0 : i32
      %dma_start3A_58 = tpu.memref_slice %arg2[%multiple_of3A_50, %dma_start3A_57] : memref<320000x128xf32, #tpu.memory_space<hbm>> -> memref<80x128xf32, #tpu.memory_space<hbm>>
      tpu.enqueue_dma source(%dma_start3A_58 : memref<80x128xf32, #tpu.memory_space<hbm>>) target(%arg9 : memref<80x128xf32, #tpu.memory_space<vmem>>) target_semaphore(%arg12 : memref<!tpu.dma_semaphore, #tpu.memory_space<semaphore_mem>>)
      %dma_wait3A_59 = arith.constant 0 : i32
      %dma_wait3A_60 = tpu.memref_slice %arg2[%multiple_of3A_42, %dma_wait3A_59] : memref<320000x128xf32, #tpu.memory_space<hbm>> -> memref<80x128xf32, #tpu.memory_space<hbm>>
      %dma_wait3A_61 = arith.constant 0 : i32
      %dma_wait3A_62 = tpu.memref_slice %arg2[%multiple_of3A_42, %dma_wait3A_61] : memref<320000x128xf32, #tpu.memory_space<hbm>> -> memref<80x128xf32, #tpu.memory_space<hbm>>
      tpu.wait_dma2 semaphore(%arg11 : memref<!tpu.dma_semaphore, #tpu.memory_space<semaphore_mem>>) src(%dma_wait3A_62 : memref<80x128xf32, #tpu.memory_space<hbm>>) dst(%arg8 : memref<80x128xf32, #tpu.memory_space<vmem>>)
      "tpu.region"() ({
        %run_scoped3A = tpu.sem_alloc : memref<!tpu.dma_semaphore, #tpu.memory_space<semaphore_mem>>
        %dma_start3A_68 = arith.constant 0 : i32
        %dma_start3A_69 = arith.constant 0 : i32
        %dma_start3A_70 = tpu.memref_slice %arg10[%dma_start3A_68, %dma_start3A_69] : memref<10240x128xf32, #tpu.memory_space<vmem_shared>> -> memref<10240x128xf32, #tpu.memory_space<vmem_shared>>
        tpu.enqueue_indirect_dma source(%arg8 : memref<80x128xf32, #tpu.memory_space<vmem>>) target(%dma_start3A_70 : memref<10240x128xf32, #tpu.memory_space<vmem_shared>>) offsets(%arg6 : memref<80xi32, #tpu.memory_space<vmem>>) semaphore(%run_scoped3A : memref<!tpu.dma_semaphore, #tpu.memory_space<semaphore_mem>>) {add = true}
        %dma_wait3A_71 = arith.constant 0 : i32
        %dma_wait3A_72 = arith.constant 0 : i32
        %dma_wait3A_73 = tpu.memref_slice %arg10[%dma_wait3A_71, %dma_wait3A_72] : memref<10240x128xf32, #tpu.memory_space<vmem_shared>> -> memref<10240x128xf32, #tpu.memory_space<vmem_shared>>
        tpu.wait_indirect_dma semaphore(%run_scoped3A : memref<!tpu.dma_semaphore, #tpu.memory_space<semaphore_mem>>) src(%arg8 : memref<80x128xf32, #tpu.memory_space<vmem>>) dst(%dma_wait3A_73 : memref<10240x128xf32, #tpu.memory_space<vmem_shared>>)
        tpu.yield
      }) : () -> ()
      %dma_wait3A_63 = arith.constant 0 : i32
      %dma_wait3A_64 = tpu.memref_slice %arg2[%multiple_of3A_50, %dma_wait3A_63] : memref<320000x128xf32, #tpu.memory_space<hbm>> -> memref<80x128xf32, #tpu.memory_space<hbm>>
      %dma_wait3A_65 = arith.constant 0 : i32
      %dma_wait3A_66 = tpu.memref_slice %arg2[%multiple_of3A_50, %dma_wait3A_65] : memref<320000x128xf32, #tpu.memory_space<hbm>> -> memref<80x128xf32, #tpu.memory_space<hbm>>
      tpu.wait_dma2 semaphore(%arg12 : memref<!tpu.dma_semaphore, #tpu.memory_space<semaphore_mem>>) src(%dma_wait3A_66 : memref<80x128xf32, #tpu.memory_space<hbm>>) dst(%arg9 : memref<80x128xf32, #tpu.memory_space<vmem>>)
      "tpu.region"() ({
        %run_scoped3A = tpu.sem_alloc : memref<!tpu.dma_semaphore, #tpu.memory_space<semaphore_mem>>
        %dma_start3A_68 = arith.constant 0 : i32
        %dma_start3A_69 = arith.constant 0 : i32
        %dma_start3A_70 = tpu.memref_slice %arg10[%dma_start3A_68, %dma_start3A_69] : memref<10240x128xf32, #tpu.memory_space<vmem_shared>> -> memref<10240x128xf32, #tpu.memory_space<vmem_shared>>
        tpu.enqueue_indirect_dma source(%arg9 : memref<80x128xf32, #tpu.memory_space<vmem>>) target(%dma_start3A_70 : memref<10240x128xf32, #tpu.memory_space<vmem_shared>>) offsets(%arg7 : memref<80xi32, #tpu.memory_space<vmem>>) semaphore(%run_scoped3A : memref<!tpu.dma_semaphore, #tpu.memory_space<semaphore_mem>>) {add = true}
        %dma_wait3A_71 = arith.constant 0 : i32
        %dma_wait3A_72 = arith.constant 0 : i32
        %dma_wait3A_73 = tpu.memref_slice %arg10[%dma_wait3A_71, %dma_wait3A_72] : memref<10240x128xf32, #tpu.memory_space<vmem_shared>> -> memref<10240x128xf32, #tpu.memory_space<vmem_shared>>
        tpu.wait_indirect_dma semaphore(%run_scoped3A : memref<!tpu.dma_semaphore, #tpu.memory_space<semaphore_mem>>) src(%arg9 : memref<80x128xf32, #tpu.memory_space<vmem>>) dst(%dma_wait3A_73 : memref<10240x128xf32, #tpu.memory_space<vmem_shared>>)
        tpu.yield
      }) : () -> ()
      %scan3A_67 = arith.constant 0 : i32
      scf.yield %scan3A_67 : i32
    }
    %scan3A_17 = arith.constant 62 : i32
    %add3A_18 = arith.constant 9920 : i32
    %add3A_19 = arith.addi %mul3A_10, %add3A_18 : i32
    %multiple_of3A_20 = tpu.assume_multiple %add3A_19, 80 : i32
    "tpu.region"() ({
      %run_scoped3A = tpu.sem_alloc : memref<!tpu.dma_semaphore, #tpu.memory_space<semaphore_mem>>
      %dma_start3A_35 = tpu.memref_slice %arg3[%multiple_of3A_20] : memref<320000xi32, #tpu.memory_space<hbm>> -> memref<80xi32, #tpu.memory_space<hbm>>
      %dma_start3A_36 = tpu.memref_slice %arg3[%multiple_of3A_20] : memref<320000xi32, #tpu.memory_space<hbm>> -> memref<80xi32, #tpu.memory_space<hbm>>
      tpu.enqueue_dma source(%dma_start3A_36 : memref<80xi32, #tpu.memory_space<hbm>>) target(%arg6 : memref<80xi32, #tpu.memory_space<vmem>>) target_semaphore(%run_scoped3A : memref<!tpu.dma_semaphore, #tpu.memory_space<semaphore_mem>>)
      %dma_wait3A_37 = tpu.memref_slice %arg3[%multiple_of3A_20] : memref<320000xi32, #tpu.memory_space<hbm>> -> memref<80xi32, #tpu.memory_space<hbm>>
      %dma_wait3A_38 = tpu.memref_slice %arg3[%multiple_of3A_20] : memref<320000xi32, #tpu.memory_space<hbm>> -> memref<80xi32, #tpu.memory_space<hbm>>
      tpu.wait_dma2 semaphore(%run_scoped3A : memref<!tpu.dma_semaphore, #tpu.memory_space<semaphore_mem>>) src(%dma_wait3A_38 : memref<80xi32, #tpu.memory_space<hbm>>) dst(%arg6 : memref<80xi32, #tpu.memory_space<vmem>>)
      tpu.yield
    }) : () -> ()
    %dma_start3A = arith.constant 0 : i32
    %dma_start3A_21 = tpu.memref_slice %arg2[%multiple_of3A_20, %dma_start3A] : memref<320000x128xf32, #tpu.memory_space<hbm>> -> memref<80x128xf32, #tpu.memory_space<hbm>>
    %dma_start3A_22 = arith.constant 0 : i32
    %dma_start3A_23 = tpu.memref_slice %arg2[%multiple_of3A_20, %dma_start3A_22] : memref<320000x128xf32, #tpu.memory_space<hbm>> -> memref<80x128xf32, #tpu.memory_space<hbm>>
    tpu.enqueue_dma source(%dma_start3A_23 : memref<80x128xf32, #tpu.memory_space<hbm>>) target(%arg8 : memref<80x128xf32, #tpu.memory_space<vmem>>) target_semaphore(%arg11 : memref<!tpu.dma_semaphore, #tpu.memory_space<semaphore_mem>>)
    %dma_wait3A = arith.constant 0 : i32
    %dma_wait3A_24 = tpu.memref_slice %arg2[%multiple_of3A_20, %dma_wait3A] : memref<320000x128xf32, #tpu.memory_space<hbm>> -> memref<80x128xf32, #tpu.memory_space<hbm>>
    %dma_wait3A_25 = arith.constant 0 : i32
    %dma_wait3A_26 = tpu.memref_slice %arg2[%multiple_of3A_20, %dma_wait3A_25] : memref<320000x128xf32, #tpu.memory_space<hbm>> -> memref<80x128xf32, #tpu.memory_space<hbm>>
    tpu.wait_dma2 semaphore(%arg11 : memref<!tpu.dma_semaphore, #tpu.memory_space<semaphore_mem>>) src(%dma_wait3A_26 : memref<80x128xf32, #tpu.memory_space<hbm>>) dst(%arg8 : memref<80x128xf32, #tpu.memory_space<vmem>>)
    "tpu.region"() ({
      %run_scoped3A = tpu.sem_alloc : memref<!tpu.dma_semaphore, #tpu.memory_space<semaphore_mem>>
      %dma_start3A_35 = arith.constant 0 : i32
      %dma_start3A_36 = arith.constant 0 : i32
      %dma_start3A_37 = tpu.memref_slice %arg10[%dma_start3A_35, %dma_start3A_36] : memref<10240x128xf32, #tpu.memory_space<vmem_shared>> -> memref<10240x128xf32, #tpu.memory_space<vmem_shared>>
      tpu.enqueue_indirect_dma source(%arg8 : memref<80x128xf32, #tpu.memory_space<vmem>>) target(%dma_start3A_37 : memref<10240x128xf32, #tpu.memory_space<vmem_shared>>) offsets(%arg6 : memref<80xi32, #tpu.memory_space<vmem>>) semaphore(%run_scoped3A : memref<!tpu.dma_semaphore, #tpu.memory_space<semaphore_mem>>) {add = true}
      %dma_wait3A_38 = arith.constant 0 : i32
      %dma_wait3A_39 = arith.constant 0 : i32
      %dma_wait3A_40 = tpu.memref_slice %arg10[%dma_wait3A_38, %dma_wait3A_39] : memref<10240x128xf32, #tpu.memory_space<vmem_shared>> -> memref<10240x128xf32, #tpu.memory_space<vmem_shared>>
      tpu.wait_indirect_dma semaphore(%run_scoped3A : memref<!tpu.dma_semaphore, #tpu.memory_space<semaphore_mem>>) src(%arg8 : memref<80x128xf32, #tpu.memory_space<vmem>>) dst(%dma_wait3A_40 : memref<10240x128xf32, #tpu.memory_space<vmem_shared>>)
      tpu.yield
    }) : () -> ()
    %barrier3A_27 = arith.constant 0 : index
    tpu.barrier barrier_id(%barrier3A_27)
    %scan3A_28 = arith.constant 0 : i32
    %scan3A_29 = arith.constant 0 : i32
    %scan3A_30 = arith.constant 8 : i32
    %scan3A_31 = arith.addi %scan3A_29, %scan3A_30 : i32
    %scan3A_32 = arith.constant 1 : i32
    %scan3A_33 = scf.for %scan3A_35 = %scan3A_29 to %scan3A_31 step %scan3A_32 iter_args(%scan3A_36 = %scan3A_28) -> (i32)  : i32 {
      %mul3A_37 = arith.constant 80 : i32
      %mul3A_38 = arith.muli %scan3A_35, %mul3A_37 : i32
      %add3A_39 = arith.addi %multiple_of3A, %mul3A_38 : i32
      %multiple_of3A_40 = tpu.assume_multiple %add3A_39, 80 : i32
      "tpu.region"() ({
        %run_scoped3A = tpu.sem_alloc : memref<!tpu.dma_semaphore, #tpu.memory_space<semaphore_mem>>
        %dma_start3A_42 = arith.constant 0 : i32
        %dma_start3A_43 = tpu.memref_slice %arg10[%multiple_of3A_40, %dma_start3A_42] : memref<10240x128xf32, #tpu.memory_space<vmem_shared>> -> memref<80x128xf32, #tpu.memory_space<vmem_shared>>
        %dma_start3A_44 = arith.constant 0 : i32
        %dma_start3A_45 = tpu.memref_slice %arg10[%multiple_of3A_40, %dma_start3A_44] : memref<10240x128xf32, #tpu.memory_space<vmem_shared>> -> memref<80x128xf32, #tpu.memory_space<vmem_shared>>
        tpu.enqueue_dma source(%dma_start3A_45 : memref<80x128xf32, #tpu.memory_space<vmem_shared>>) target(%arg8 : memref<80x128xf32, #tpu.memory_space<vmem>>) target_semaphore(%run_scoped3A : memref<!tpu.dma_semaphore, #tpu.memory_space<semaphore_mem>>)
        %dma_wait3A_46 = arith.constant 0 : i32
        %dma_wait3A_47 = tpu.memref_slice %arg10[%multiple_of3A_40, %dma_wait3A_46] : memref<10240x128xf32, #tpu.memory_space<vmem_shared>> -> memref<80x128xf32, #tpu.memory_space<vmem_shared>>
        %dma_wait3A_48 = arith.constant 0 : i32
        %dma_wait3A_49 = tpu.memref_slice %arg10[%multiple_of3A_40, %dma_wait3A_48] : memref<10240x128xf32, #tpu.memory_space<vmem_shared>> -> memref<80x128xf32, #tpu.memory_space<vmem_shared>>
        tpu.wait_dma2 semaphore(%run_scoped3A : memref<!tpu.dma_semaphore, #tpu.memory_space<semaphore_mem>>) src(%dma_wait3A_49 : memref<80x128xf32, #tpu.memory_space<vmem_shared>>) dst(%arg8 : memref<80x128xf32, #tpu.memory_space<vmem>>)
        tpu.yield
      }) : () -> ()
      "tpu.region"() ({
        %run_scoped3A = tpu.sem_alloc : memref<!tpu.dma_semaphore, #tpu.memory_space<semaphore_mem>>
        %dma_start3A_42 = arith.constant 0 : i32
        %dma_start3A_43 = tpu.memref_slice %arg5[%arg0, %multiple_of3A_40, %dma_start3A_42] : memref<2x10240x128xf32, #tpu.memory_space<hbm>> -> memref<1x80x128xf32, #tpu.memory_space<hbm>>
        %dma_start3A_44 = tpu.memref_squeeze %dma_start3A_43 : memref<1x80x128xf32, #tpu.memory_space<hbm>> -> memref<80x128xf32, #tpu.memory_space<hbm>>
        %dma_start3A_45 = arith.constant 0 : i32
        %dma_start3A_46 = tpu.memref_slice %arg5[%arg0, %multiple_of3A_40, %dma_start3A_45] : memref<2x10240x128xf32, #tpu.memory_space<hbm>> -> memref<1x80x128xf32, #tpu.memory_space<hbm>>
        %dma_start3A_47 = tpu.memref_squeeze %dma_start3A_46 : memref<1x80x128xf32, #tpu.memory_space<hbm>> -> memref<80x128xf32, #tpu.memory_space<hbm>>
        tpu.enqueue_dma source(%arg8 : memref<80x128xf32, #tpu.memory_space<vmem>>) target(%dma_start3A_47 : memref<80x128xf32, #tpu.memory_space<hbm>>) target_semaphore(%run_scoped3A : memref<!tpu.dma_semaphore, #tpu.memory_space<semaphore_mem>>)
        %dma_wait3A_48 = arith.constant 0 : i32
        %dma_wait3A_49 = tpu.memref_slice %arg5[%arg0, %multiple_of3A_40, %dma_wait3A_48] : memref<2x10240x128xf32, #tpu.memory_space<hbm>> -> memref<1x80x128xf32, #tpu.memory_space<hbm>>
        %dma_wait3A_50 = tpu.memref_squeeze %dma_wait3A_49 : memref<1x80x128xf32, #tpu.memory_space<hbm>> -> memref<80x128xf32, #tpu.memory_space<hbm>>
        %dma_wait3A_51 = arith.constant 0 : i32
        %dma_wait3A_52 = tpu.memref_slice %arg5[%arg0, %multiple_of3A_40, %dma_wait3A_51] : memref<2x10240x128xf32, #tpu.memory_space<hbm>> -> memref<1x80x128xf32, #tpu.memory_space<hbm>>
        %dma_wait3A_53 = tpu.memref_squeeze %dma_wait3A_52 : memref<1x80x128xf32, #tpu.memory_space<hbm>> -> memref<80x128xf32, #tpu.memory_space<hbm>>
        tpu.wait_dma2 semaphore(%run_scoped3A : memref<!tpu.dma_semaphore, #tpu.memory_space<semaphore_mem>>) src(%arg8 : memref<80x128xf32, #tpu.memory_space<vmem>>) dst(%dma_wait3A_53 : memref<80x128xf32, #tpu.memory_space<hbm>>)
        tpu.yield
      }) : () -> ()
      %scan3A_41 = arith.constant 0 : i32
      scf.yield %scan3A_41 : i32
    }
    %scan3A_34 = arith.constant 8 : i32
    return
  }
}

#map = affine_map<(d0, d1) -> (0)>
#map1 = affine_map<(d0, d1) -> (0, 0)>
#map2 = affine_map<(d0, d1) -> (0, 0, 0)>
module attributes {stable_mosaic.version = 14 : i64} {
  func.func @_sc_count(%arg0: i32, %arg1: i32, %arg2: memref<320000xi32, #tpu.memory_space<hbm>>, %arg3: memref<10240x128xf32, #tpu.memory_space<hbm>>, %arg4: memref<80x128xf32, #tpu.memory_space<hbm>>, %arg5: memref<2x10240x128xf32, #tpu.memory_space<hbm>>, %arg6: memref<80xi32, #tpu.memory_space<vmem>>, %arg7: memref<80xi32, #tpu.memory_space<vmem>>, %arg8: memref<80x128xf32, #tpu.memory_space<vmem>>, %arg9: memref<80x128xf32, #tpu.memory_space<vmem>>, %arg10: memref<10240x128xf32, #tpu.memory_space<vmem_shared>>, %arg11: memref<!tpu.dma_semaphore, #tpu.memory_space<semaphore_mem>>, %arg12: memref<!tpu.dma_semaphore, #tpu.memory_space<semaphore_mem>>) attributes {dimension_semantics = [#tpu.dimension_semantics<core_parallel>, #tpu.dimension_semantics<subcore_parallel>], iteration_bounds = array<i64: 2, 16>, scalar_prefetch = 0 : i64, scratch_operands = 7 : i64, tpu.core_type = #tpu.core_type<sc_vector_subcore>, window_params = [{transform_indices = #map}, {transform_indices = #map1}, {transform_indices = #map1}, {transform_indices = #map2}]} {
    %mul3A = arith.constant 640 : i32
    %mul3A_0 = arith.muli %arg1, %mul3A : i32
    %multiple_of3A = tpu.assume_multiple %mul3A_0, 640 : i32
    %scan3A = arith.constant 0 : i32
    %scan3A_1 = arith.constant 0 : i32
    %scan3A_2 = arith.constant 8 : i32
    %scan3A_3 = arith.addi %scan3A_1, %scan3A_2 : i32
    %scan3A_4 = arith.constant 1 : i32
    %scan3A_5 = scf.for %scan3A_29 = %scan3A_1 to %scan3A_3 step %scan3A_4 iter_args(%scan3A_30 = %scan3A) -> (i32)  : i32 {
      %mul3A_31 = arith.constant 80 : i32
      %mul3A_32 = arith.muli %scan3A_29, %mul3A_31 : i32
      %add3A_33 = arith.addi %multiple_of3A, %mul3A_32 : i32
      %multiple_of3A_34 = tpu.assume_multiple %add3A_33, 80 : i32
      "tpu.region"() ({
        %run_scoped3A = tpu.sem_alloc : memref<!tpu.dma_semaphore, #tpu.memory_space<semaphore_mem>>
        %dma_start3A = arith.constant 0 : i32
        %dma_start3A_36 = tpu.memref_slice %arg3[%multiple_of3A_34, %dma_start3A] : memref<10240x128xf32, #tpu.memory_space<hbm>> -> memref<80x128xf32, #tpu.memory_space<hbm>>
        %dma_start3A_37 = arith.constant 0 : i32
        %dma_start3A_38 = tpu.memref_slice %arg3[%multiple_of3A_34, %dma_start3A_37] : memref<10240x128xf32, #tpu.memory_space<hbm>> -> memref<80x128xf32, #tpu.memory_space<hbm>>
        tpu.enqueue_dma source(%dma_start3A_38 : memref<80x128xf32, #tpu.memory_space<hbm>>) target(%arg8 : memref<80x128xf32, #tpu.memory_space<vmem>>) target_semaphore(%run_scoped3A : memref<!tpu.dma_semaphore, #tpu.memory_space<semaphore_mem>>)
        %dma_wait3A = arith.constant 0 : i32
        %dma_wait3A_39 = tpu.memref_slice %arg3[%multiple_of3A_34, %dma_wait3A] : memref<10240x128xf32, #tpu.memory_space<hbm>> -> memref<80x128xf32, #tpu.memory_space<hbm>>
        %dma_wait3A_40 = arith.constant 0 : i32
        %dma_wait3A_41 = tpu.memref_slice %arg3[%multiple_of3A_34, %dma_wait3A_40] : memref<10240x128xf32, #tpu.memory_space<hbm>> -> memref<80x128xf32, #tpu.memory_space<hbm>>
        tpu.wait_dma2 semaphore(%run_scoped3A : memref<!tpu.dma_semaphore, #tpu.memory_space<semaphore_mem>>) src(%dma_wait3A_41 : memref<80x128xf32, #tpu.memory_space<hbm>>) dst(%arg8 : memref<80x128xf32, #tpu.memory_space<vmem>>)
        tpu.yield
      }) : () -> ()
      "tpu.region"() ({
        %run_scoped3A = tpu.sem_alloc : memref<!tpu.dma_semaphore, #tpu.memory_space<semaphore_mem>>
        %dma_start3A = arith.constant 0 : i32
        %dma_start3A_36 = tpu.memref_slice %arg10[%multiple_of3A_34, %dma_start3A] : memref<10240x128xf32, #tpu.memory_space<vmem_shared>> -> memref<80x128xf32, #tpu.memory_space<vmem_shared>>
        %dma_start3A_37 = arith.constant 0 : i32
        %dma_start3A_38 = tpu.memref_slice %arg10[%multiple_of3A_34, %dma_start3A_37] : memref<10240x128xf32, #tpu.memory_space<vmem_shared>> -> memref<80x128xf32, #tpu.memory_space<vmem_shared>>
        tpu.enqueue_dma source(%arg8 : memref<80x128xf32, #tpu.memory_space<vmem>>) target(%dma_start3A_38 : memref<80x128xf32, #tpu.memory_space<vmem_shared>>) target_semaphore(%run_scoped3A : memref<!tpu.dma_semaphore, #tpu.memory_space<semaphore_mem>>)
        %dma_wait3A = arith.constant 0 : i32
        %dma_wait3A_39 = tpu.memref_slice %arg10[%multiple_of3A_34, %dma_wait3A] : memref<10240x128xf32, #tpu.memory_space<vmem_shared>> -> memref<80x128xf32, #tpu.memory_space<vmem_shared>>
        %dma_wait3A_40 = arith.constant 0 : i32
        %dma_wait3A_41 = tpu.memref_slice %arg10[%multiple_of3A_34, %dma_wait3A_40] : memref<10240x128xf32, #tpu.memory_space<vmem_shared>> -> memref<80x128xf32, #tpu.memory_space<vmem_shared>>
        tpu.wait_dma2 semaphore(%run_scoped3A : memref<!tpu.dma_semaphore, #tpu.memory_space<semaphore_mem>>) src(%arg8 : memref<80x128xf32, #tpu.memory_space<vmem>>) dst(%dma_wait3A_41 : memref<80x128xf32, #tpu.memory_space<vmem_shared>>)
        tpu.yield
      }) : () -> ()
      %scan3A_35 = arith.constant 0 : i32
      scf.yield %scan3A_35 : i32
    }
    %scan3A_6 = arith.constant 8 : i32
    "tpu.region"() ({
      %run_scoped3A = tpu.sem_alloc : memref<!tpu.dma_semaphore, #tpu.memory_space<semaphore_mem>>
      tpu.enqueue_dma source(%arg4 : memref<80x128xf32, #tpu.memory_space<hbm>>) target(%arg9 : memref<80x128xf32, #tpu.memory_space<vmem>>) target_semaphore(%run_scoped3A : memref<!tpu.dma_semaphore, #tpu.memory_space<semaphore_mem>>)
      tpu.wait_dma2 semaphore(%run_scoped3A : memref<!tpu.dma_semaphore, #tpu.memory_space<semaphore_mem>>) src(%arg4 : memref<80x128xf32, #tpu.memory_space<hbm>>) dst(%arg9 : memref<80x128xf32, #tpu.memory_space<vmem>>)
      tpu.yield
    }) : () -> ()
    %barrier3A = arith.constant 0 : index
    tpu.barrier barrier_id(%barrier3A)
    %mul3A_7 = arith.constant 16 : i32
    %mul3A_8 = arith.muli %arg0, %mul3A_7 : i32
    %add3A = arith.addi %mul3A_8, %arg1 : i32
    %mul3A_9 = arith.constant 10000 : i32
    %mul3A_10 = arith.muli %add3A, %mul3A_9 : i32
    %scan3A_11 = arith.constant 0 : i32
    %scan3A_12 = arith.constant 0 : i32
    %scan3A_13 = arith.constant 62 : i32
    %scan3A_14 = arith.addi %scan3A_12, %scan3A_13 : i32
    %scan3A_15 = arith.constant 1 : i32
    %scan3A_16 = scf.for %scan3A_29 = %scan3A_12 to %scan3A_14 step %scan3A_15 iter_args(%scan3A_30 = %scan3A_11) -> (i32)  : i32 {
      %mul3A_31 = arith.constant 2 : i32
      %mul3A_32 = arith.muli %mul3A_31, %scan3A_29 : i32
      %mul3A_33 = arith.constant 80 : i32
      %mul3A_34 = arith.muli %mul3A_32, %mul3A_33 : i32
      %add3A_35 = arith.addi %mul3A_10, %mul3A_34 : i32
      %multiple_of3A_36 = tpu.assume_multiple %add3A_35, 80 : i32
      %mul3A_37 = arith.constant 2 : i32
      %mul3A_38 = arith.muli %mul3A_37, %scan3A_29 : i32
      %add3A_39 = arith.constant 1 : i32
      %add3A_40 = arith.addi %mul3A_38, %add3A_39 : i32
      %mul3A_41 = arith.constant 80 : i32
      %mul3A_42 = arith.muli %add3A_40, %mul3A_41 : i32
      %add3A_43 = arith.addi %mul3A_10, %mul3A_42 : i32
      %multiple_of3A_44 = tpu.assume_multiple %add3A_43, 80 : i32
      %dma_start3A = tpu.memref_slice %arg2[%multiple_of3A_36] : memref<320000xi32, #tpu.memory_space<hbm>> -> memref<80xi32, #tpu.memory_space<hbm>>
      %dma_start3A_45 = tpu.memref_slice %arg2[%multiple_of3A_36] : memref<320000xi32, #tpu.memory_space<hbm>> -> memref<80xi32, #tpu.memory_space<hbm>>
      tpu.enqueue_dma source(%dma_start3A_45 : memref<80xi32, #tpu.memory_space<hbm>>) target(%arg6 : memref<80xi32, #tpu.memory_space<vmem>>) target_semaphore(%arg11 : memref<!tpu.dma_semaphore, #tpu.memory_space<semaphore_mem>>)
      %dma_start3A_46 = tpu.memref_slice %arg2[%multiple_of3A_44] : memref<320000xi32, #tpu.memory_space<hbm>> -> memref<80xi32, #tpu.memory_space<hbm>>
      %dma_start3A_47 = tpu.memref_slice %arg2[%multiple_of3A_44] : memref<320000xi32, #tpu.memory_space<hbm>> -> memref<80xi32, #tpu.memory_space<hbm>>
      tpu.enqueue_dma source(%dma_start3A_47 : memref<80xi32, #tpu.memory_space<hbm>>) target(%arg7 : memref<80xi32, #tpu.memory_space<vmem>>) target_semaphore(%arg12 : memref<!tpu.dma_semaphore, #tpu.memory_space<semaphore_mem>>)
      %dma_wait3A = tpu.memref_slice %arg2[%multiple_of3A_36] : memref<320000xi32, #tpu.memory_space<hbm>> -> memref<80xi32, #tpu.memory_space<hbm>>
      %dma_wait3A_48 = tpu.memref_slice %arg2[%multiple_of3A_36] : memref<320000xi32, #tpu.memory_space<hbm>> -> memref<80xi32, #tpu.memory_space<hbm>>
      tpu.wait_dma2 semaphore(%arg11 : memref<!tpu.dma_semaphore, #tpu.memory_space<semaphore_mem>>) src(%dma_wait3A_48 : memref<80xi32, #tpu.memory_space<hbm>>) dst(%arg6 : memref<80xi32, #tpu.memory_space<vmem>>)
      "tpu.region"() ({
        %run_scoped3A = tpu.sem_alloc : memref<!tpu.dma_semaphore, #tpu.memory_space<semaphore_mem>>
        %dma_start3A_52 = arith.constant 0 : i32
        %dma_start3A_53 = arith.constant 0 : i32
        %dma_start3A_54 = tpu.memref_slice %arg10[%dma_start3A_52, %dma_start3A_53] : memref<10240x128xf32, #tpu.memory_space<vmem_shared>> -> memref<10240x128xf32, #tpu.memory_space<vmem_shared>>
        tpu.enqueue_indirect_dma source(%arg9 : memref<80x128xf32, #tpu.memory_space<vmem>>) target(%dma_start3A_54 : memref<10240x128xf32, #tpu.memory_space<vmem_shared>>) offsets(%arg6 : memref<80xi32, #tpu.memory_space<vmem>>) semaphore(%run_scoped3A : memref<!tpu.dma_semaphore, #tpu.memory_space<semaphore_mem>>) {add = true}
        %dma_wait3A_55 = arith.constant 0 : i32
        %dma_wait3A_56 = arith.constant 0 : i32
        %dma_wait3A_57 = tpu.memref_slice %arg10[%dma_wait3A_55, %dma_wait3A_56] : memref<10240x128xf32, #tpu.memory_space<vmem_shared>> -> memref<10240x128xf32, #tpu.memory_space<vmem_shared>>
        tpu.wait_indirect_dma semaphore(%run_scoped3A : memref<!tpu.dma_semaphore, #tpu.memory_space<semaphore_mem>>) src(%arg9 : memref<80x128xf32, #tpu.memory_space<vmem>>) dst(%dma_wait3A_57 : memref<10240x128xf32, #tpu.memory_space<vmem_shared>>)
        tpu.yield
      }) : () -> ()
      %dma_wait3A_49 = tpu.memref_slice %arg2[%multiple_of3A_44] : memref<320000xi32, #tpu.memory_space<hbm>> -> memref<80xi32, #tpu.memory_space<hbm>>
      %dma_wait3A_50 = tpu.memref_slice %arg2[%multiple_of3A_44] : memref<320000xi32, #tpu.memory_space<hbm>> -> memref<80xi32, #tpu.memory_space<hbm>>
      tpu.wait_dma2 semaphore(%arg12 : memref<!tpu.dma_semaphore, #tpu.memory_space<semaphore_mem>>) src(%dma_wait3A_50 : memref<80xi32, #tpu.memory_space<hbm>>) dst(%arg7 : memref<80xi32, #tpu.memory_space<vmem>>)
      "tpu.region"() ({
        %run_scoped3A = tpu.sem_alloc : memref<!tpu.dma_semaphore, #tpu.memory_space<semaphore_mem>>
        %dma_start3A_52 = arith.constant 0 : i32
        %dma_start3A_53 = arith.constant 0 : i32
        %dma_start3A_54 = tpu.memref_slice %arg10[%dma_start3A_52, %dma_start3A_53] : memref<10240x128xf32, #tpu.memory_space<vmem_shared>> -> memref<10240x128xf32, #tpu.memory_space<vmem_shared>>
        tpu.enqueue_indirect_dma source(%arg9 : memref<80x128xf32, #tpu.memory_space<vmem>>) target(%dma_start3A_54 : memref<10240x128xf32, #tpu.memory_space<vmem_shared>>) offsets(%arg7 : memref<80xi32, #tpu.memory_space<vmem>>) semaphore(%run_scoped3A : memref<!tpu.dma_semaphore, #tpu.memory_space<semaphore_mem>>) {add = true}
        %dma_wait3A_55 = arith.constant 0 : i32
        %dma_wait3A_56 = arith.constant 0 : i32
        %dma_wait3A_57 = tpu.memref_slice %arg10[%dma_wait3A_55, %dma_wait3A_56] : memref<10240x128xf32, #tpu.memory_space<vmem_shared>> -> memref<10240x128xf32, #tpu.memory_space<vmem_shared>>
        tpu.wait_indirect_dma semaphore(%run_scoped3A : memref<!tpu.dma_semaphore, #tpu.memory_space<semaphore_mem>>) src(%arg9 : memref<80x128xf32, #tpu.memory_space<vmem>>) dst(%dma_wait3A_57 : memref<10240x128xf32, #tpu.memory_space<vmem_shared>>)
        tpu.yield
      }) : () -> ()
      %scan3A_51 = arith.constant 0 : i32
      scf.yield %scan3A_51 : i32
    }
    %scan3A_17 = arith.constant 62 : i32
    %add3A_18 = arith.constant 9920 : i32
    %add3A_19 = arith.addi %mul3A_10, %add3A_18 : i32
    %multiple_of3A_20 = tpu.assume_multiple %add3A_19, 80 : i32
    "tpu.region"() ({
      %run_scoped3A = tpu.sem_alloc : memref<!tpu.dma_semaphore, #tpu.memory_space<semaphore_mem>>
      %dma_start3A = tpu.memref_slice %arg2[%multiple_of3A_20] : memref<320000xi32, #tpu.memory_space<hbm>> -> memref<80xi32, #tpu.memory_space<hbm>>
      %dma_start3A_29 = tpu.memref_slice %arg2[%multiple_of3A_20] : memref<320000xi32, #tpu.memory_space<hbm>> -> memref<80xi32, #tpu.memory_space<hbm>>
      tpu.enqueue_dma source(%dma_start3A_29 : memref<80xi32, #tpu.memory_space<hbm>>) target(%arg6 : memref<80xi32, #tpu.memory_space<vmem>>) target_semaphore(%run_scoped3A : memref<!tpu.dma_semaphore, #tpu.memory_space<semaphore_mem>>)
      %dma_wait3A = tpu.memref_slice %arg2[%multiple_of3A_20] : memref<320000xi32, #tpu.memory_space<hbm>> -> memref<80xi32, #tpu.memory_space<hbm>>
      %dma_wait3A_30 = tpu.memref_slice %arg2[%multiple_of3A_20] : memref<320000xi32, #tpu.memory_space<hbm>> -> memref<80xi32, #tpu.memory_space<hbm>>
      tpu.wait_dma2 semaphore(%run_scoped3A : memref<!tpu.dma_semaphore, #tpu.memory_space<semaphore_mem>>) src(%dma_wait3A_30 : memref<80xi32, #tpu.memory_space<hbm>>) dst(%arg6 : memref<80xi32, #tpu.memory_space<vmem>>)
      tpu.yield
    }) : () -> ()
    "tpu.region"() ({
      %run_scoped3A = tpu.sem_alloc : memref<!tpu.dma_semaphore, #tpu.memory_space<semaphore_mem>>
      %dma_start3A = arith.constant 0 : i32
      %dma_start3A_29 = arith.constant 0 : i32
      %dma_start3A_30 = tpu.memref_slice %arg10[%dma_start3A, %dma_start3A_29] : memref<10240x128xf32, #tpu.memory_space<vmem_shared>> -> memref<10240x128xf32, #tpu.memory_space<vmem_shared>>
      tpu.enqueue_indirect_dma source(%arg9 : memref<80x128xf32, #tpu.memory_space<vmem>>) target(%dma_start3A_30 : memref<10240x128xf32, #tpu.memory_space<vmem_shared>>) offsets(%arg6 : memref<80xi32, #tpu.memory_space<vmem>>) semaphore(%run_scoped3A : memref<!tpu.dma_semaphore, #tpu.memory_space<semaphore_mem>>) {add = true}
      %dma_wait3A = arith.constant 0 : i32
      %dma_wait3A_31 = arith.constant 0 : i32
      %dma_wait3A_32 = tpu.memref_slice %arg10[%dma_wait3A, %dma_wait3A_31] : memref<10240x128xf32, #tpu.memory_space<vmem_shared>> -> memref<10240x128xf32, #tpu.memory_space<vmem_shared>>
      tpu.wait_indirect_dma semaphore(%run_scoped3A : memref<!tpu.dma_semaphore, #tpu.memory_space<semaphore_mem>>) src(%arg9 : memref<80x128xf32, #tpu.memory_space<vmem>>) dst(%dma_wait3A_32 : memref<10240x128xf32, #tpu.memory_space<vmem_shared>>)
      tpu.yield
    }) : () -> ()
    %barrier3A_21 = arith.constant 0 : index
    tpu.barrier barrier_id(%barrier3A_21)
    %scan3A_22 = arith.constant 0 : i32
    %scan3A_23 = arith.constant 0 : i32
    %scan3A_24 = arith.constant 8 : i32
    %scan3A_25 = arith.addi %scan3A_23, %scan3A_24 : i32
    %scan3A_26 = arith.constant 1 : i32
    %scan3A_27 = scf.for %scan3A_29 = %scan3A_23 to %scan3A_25 step %scan3A_26 iter_args(%scan3A_30 = %scan3A_22) -> (i32)  : i32 {
      %mul3A_31 = arith.constant 80 : i32
      %mul3A_32 = arith.muli %scan3A_29, %mul3A_31 : i32
      %add3A_33 = arith.addi %multiple_of3A, %mul3A_32 : i32
      %multiple_of3A_34 = tpu.assume_multiple %add3A_33, 80 : i32
      "tpu.region"() ({
        %run_scoped3A = tpu.sem_alloc : memref<!tpu.dma_semaphore, #tpu.memory_space<semaphore_mem>>
        %dma_start3A = arith.constant 0 : i32
        %dma_start3A_36 = tpu.memref_slice %arg10[%multiple_of3A_34, %dma_start3A] : memref<10240x128xf32, #tpu.memory_space<vmem_shared>> -> memref<80x128xf32, #tpu.memory_space<vmem_shared>>
        %dma_start3A_37 = arith.constant 0 : i32
        %dma_start3A_38 = tpu.memref_slice %arg10[%multiple_of3A_34, %dma_start3A_37] : memref<10240x128xf32, #tpu.memory_space<vmem_shared>> -> memref<80x128xf32, #tpu.memory_space<vmem_shared>>
        tpu.enqueue_dma source(%dma_start3A_38 : memref<80x128xf32, #tpu.memory_space<vmem_shared>>) target(%arg8 : memref<80x128xf32, #tpu.memory_space<vmem>>) target_semaphore(%run_scoped3A : memref<!tpu.dma_semaphore, #tpu.memory_space<semaphore_mem>>)
        %dma_wait3A = arith.constant 0 : i32
        %dma_wait3A_39 = tpu.memref_slice %arg10[%multiple_of3A_34, %dma_wait3A] : memref<10240x128xf32, #tpu.memory_space<vmem_shared>> -> memref<80x128xf32, #tpu.memory_space<vmem_shared>>
        %dma_wait3A_40 = arith.constant 0 : i32
        %dma_wait3A_41 = tpu.memref_slice %arg10[%multiple_of3A_34, %dma_wait3A_40] : memref<10240x128xf32, #tpu.memory_space<vmem_shared>> -> memref<80x128xf32, #tpu.memory_space<vmem_shared>>
        tpu.wait_dma2 semaphore(%run_scoped3A : memref<!tpu.dma_semaphore, #tpu.memory_space<semaphore_mem>>) src(%dma_wait3A_41 : memref<80x128xf32, #tpu.memory_space<vmem_shared>>) dst(%arg8 : memref<80x128xf32, #tpu.memory_space<vmem>>)
        tpu.yield
      }) : () -> ()
      "tpu.region"() ({
        %run_scoped3A = tpu.sem_alloc : memref<!tpu.dma_semaphore, #tpu.memory_space<semaphore_mem>>
        %dma_start3A = arith.constant 0 : i32
        %dma_start3A_36 = tpu.memref_slice %arg5[%arg0, %multiple_of3A_34, %dma_start3A] : memref<2x10240x128xf32, #tpu.memory_space<hbm>> -> memref<1x80x128xf32, #tpu.memory_space<hbm>>
        %dma_start3A_37 = tpu.memref_squeeze %dma_start3A_36 : memref<1x80x128xf32, #tpu.memory_space<hbm>> -> memref<80x128xf32, #tpu.memory_space<hbm>>
        %dma_start3A_38 = arith.constant 0 : i32
        %dma_start3A_39 = tpu.memref_slice %arg5[%arg0, %multiple_of3A_34, %dma_start3A_38] : memref<2x10240x128xf32, #tpu.memory_space<hbm>> -> memref<1x80x128xf32, #tpu.memory_space<hbm>>
        %dma_start3A_40 = tpu.memref_squeeze %dma_start3A_39 : memref<1x80x128xf32, #tpu.memory_space<hbm>> -> memref<80x128xf32, #tpu.memory_space<hbm>>
        tpu.enqueue_dma source(%arg8 : memref<80x128xf32, #tpu.memory_space<vmem>>) target(%dma_start3A_40 : memref<80x128xf32, #tpu.memory_space<hbm>>) target_semaphore(%run_scoped3A : memref<!tpu.dma_semaphore, #tpu.memory_space<semaphore_mem>>)
        %dma_wait3A = arith.constant 0 : i32
        %dma_wait3A_41 = tpu.memref_slice %arg5[%arg0, %multiple_of3A_34, %dma_wait3A] : memref<2x10240x128xf32, #tpu.memory_space<hbm>> -> memref<1x80x128xf32, #tpu.memory_space<hbm>>
        %dma_wait3A_42 = tpu.memref_squeeze %dma_wait3A_41 : memref<1x80x128xf32, #tpu.memory_space<hbm>> -> memref<80x128xf32, #tpu.memory_space<hbm>>
        %dma_wait3A_43 = arith.constant 0 : i32
        %dma_wait3A_44 = tpu.memref_slice %arg5[%arg0, %multiple_of3A_34, %dma_wait3A_43] : memref<2x10240x128xf32, #tpu.memory_space<hbm>> -> memref<1x80x128xf32, #tpu.memory_space<hbm>>
        %dma_wait3A_45 = tpu.memref_squeeze %dma_wait3A_44 : memref<1x80x128xf32, #tpu.memory_space<hbm>> -> memref<80x128xf32, #tpu.memory_space<hbm>>
        tpu.wait_dma2 semaphore(%run_scoped3A : memref<!tpu.dma_semaphore, #tpu.memory_space<semaphore_mem>>) src(%arg8 : memref<80x128xf32, #tpu.memory_space<vmem>>) dst(%dma_wait3A_45 : memref<80x128xf32, #tpu.memory_space<hbm>>)
        tpu.yield
      }) : () -> ()
      %scan3A_35 = arith.constant 0 : i32
      scf.yield %scan3A_35 : i32
    }
    %scan3A_28 = arith.constant 8 : i32
    return
  }
}

#map = affine_map<(d0, d1) -> (0, 0)>
#map1 = affine_map<(d0, d1) -> (0)>
module attributes {stable_mosaic.version = 14 : i64} {
  func.func @_sc_gather(%arg0: i32, %arg1: i32, %arg2: memref<10000x128xf32, #tpu.memory_space<hbm>>, %arg3: memref<10000x128xf32, #tpu.memory_space<hbm>>, %arg4: memref<320000xi32, #tpu.memory_space<hbm>>, %arg5: memref<320000xi32, #tpu.memory_space<hbm>>, %arg6: memref<320000x128xf32, #tpu.memory_space<hbm>>, %arg7: memref<320000x128xf32, #tpu.memory_space<hbm>>, %arg8: memref<80xi32, #tpu.memory_space<vmem>>, %arg9: memref<80xi32, #tpu.memory_space<vmem>>, %arg10: memref<80xi32, #tpu.memory_space<vmem>>, %arg11: memref<80xi32, #tpu.memory_space<vmem>>, %arg12: memref<80x128xf32, #tpu.memory_space<vmem>>, %arg13: memref<80x128xf32, #tpu.memory_space<vmem>>, %arg14: memref<80x128xf32, #tpu.memory_space<vmem>>, %arg15: memref<80x128xf32, #tpu.memory_space<vmem>>, %arg16: memref<!tpu.dma_semaphore, #tpu.memory_space<semaphore_mem>>, %arg17: memref<!tpu.dma_semaphore, #tpu.memory_space<semaphore_mem>>, %arg18: memref<!tpu.dma_semaphore, #tpu.memory_space<semaphore_mem>>, %arg19: memref<!tpu.dma_semaphore, #tpu.memory_space<semaphore_mem>>) attributes {dimension_semantics = [#tpu.dimension_semantics<core_parallel>, #tpu.dimension_semantics<subcore_parallel>], iteration_bounds = array<i64: 2, 16>, scalar_prefetch = 0 : i64, scratch_operands = 12 : i64, tpu.core_type = #tpu.core_type<sc_vector_subcore>, window_params = [{transform_indices = #map}, {transform_indices = #map}, {transform_indices = #map1}, {transform_indices = #map1}, {transform_indices = #map}, {transform_indices = #map}]} {
    %mul3A = arith.constant 16 : i32
    %mul3A_0 = arith.muli %arg0, %mul3A : i32
    %add3A = arith.addi %mul3A_0, %arg1 : i32
    %mul3A_1 = arith.constant 10000 : i32
    %mul3A_2 = arith.muli %add3A, %mul3A_1 : i32
    %scan3A = arith.constant 0 : i32
    %scan3A_3 = arith.constant 0 : i32
    %scan3A_4 = arith.constant 62 : i32
    %scan3A_5 = arith.addi %scan3A_3, %scan3A_4 : i32
    %scan3A_6 = arith.constant 1 : i32
    %scan3A_7 = scf.for %scan3A_21 = %scan3A_3 to %scan3A_5 step %scan3A_6 iter_args(%scan3A_22 = %scan3A) -> (i32)  : i32 {
      %mul3A_23 = arith.constant 2 : i32
      %mul3A_24 = arith.muli %mul3A_23, %scan3A_21 : i32
      %mul3A_25 = arith.constant 80 : i32
      %mul3A_26 = arith.muli %mul3A_24, %mul3A_25 : i32
      %add3A_27 = arith.addi %mul3A_2, %mul3A_26 : i32
      %multiple_of3A_28 = tpu.assume_multiple %add3A_27, 80 : i32
      %mul3A_29 = arith.constant 2 : i32
      %mul3A_30 = arith.muli %mul3A_29, %scan3A_21 : i32
      %add3A_31 = arith.constant 1 : i32
      %add3A_32 = arith.addi %mul3A_30, %add3A_31 : i32
      %mul3A_33 = arith.constant 80 : i32
      %mul3A_34 = arith.muli %add3A_32, %mul3A_33 : i32
      %add3A_35 = arith.addi %mul3A_2, %mul3A_34 : i32
      %multiple_of3A_36 = tpu.assume_multiple %add3A_35, 80 : i32
      "tpu.region"() ({
        %run_scoped3A = tpu.sem_alloc : memref<!tpu.dma_semaphore, #tpu.memory_space<semaphore_mem>>
        %dma_start3A_62 = tpu.memref_slice %arg4[%multiple_of3A_28] : memref<320000xi32, #tpu.memory_space<hbm>> -> memref<80xi32, #tpu.memory_space<hbm>>
        %dma_start3A_63 = tpu.memref_slice %arg4[%multiple_of3A_28] : memref<320000xi32, #tpu.memory_space<hbm>> -> memref<80xi32, #tpu.memory_space<hbm>>
        tpu.enqueue_dma source(%dma_start3A_63 : memref<80xi32, #tpu.memory_space<hbm>>) target(%arg8 : memref<80xi32, #tpu.memory_space<vmem>>) target_semaphore(%run_scoped3A : memref<!tpu.dma_semaphore, #tpu.memory_space<semaphore_mem>>)
        %dma_wait3A_64 = tpu.memref_slice %arg4[%multiple_of3A_28] : memref<320000xi32, #tpu.memory_space<hbm>> -> memref<80xi32, #tpu.memory_space<hbm>>
        %dma_wait3A_65 = tpu.memref_slice %arg4[%multiple_of3A_28] : memref<320000xi32, #tpu.memory_space<hbm>> -> memref<80xi32, #tpu.memory_space<hbm>>
        tpu.wait_dma2 semaphore(%run_scoped3A : memref<!tpu.dma_semaphore, #tpu.memory_space<semaphore_mem>>) src(%dma_wait3A_65 : memref<80xi32, #tpu.memory_space<hbm>>) dst(%arg8 : memref<80xi32, #tpu.memory_space<vmem>>)
        tpu.yield
      }) : () -> ()
      "tpu.region"() ({
        %run_scoped3A = tpu.sem_alloc : memref<!tpu.dma_semaphore, #tpu.memory_space<semaphore_mem>>
        %dma_start3A_62 = tpu.memref_slice %arg5[%multiple_of3A_28] : memref<320000xi32, #tpu.memory_space<hbm>> -> memref<80xi32, #tpu.memory_space<hbm>>
        %dma_start3A_63 = tpu.memref_slice %arg5[%multiple_of3A_28] : memref<320000xi32, #tpu.memory_space<hbm>> -> memref<80xi32, #tpu.memory_space<hbm>>
        tpu.enqueue_dma source(%dma_start3A_63 : memref<80xi32, #tpu.memory_space<hbm>>) target(%arg9 : memref<80xi32, #tpu.memory_space<vmem>>) target_semaphore(%run_scoped3A : memref<!tpu.dma_semaphore, #tpu.memory_space<semaphore_mem>>)
        %dma_wait3A_64 = tpu.memref_slice %arg5[%multiple_of3A_28] : memref<320000xi32, #tpu.memory_space<hbm>> -> memref<80xi32, #tpu.memory_space<hbm>>
        %dma_wait3A_65 = tpu.memref_slice %arg5[%multiple_of3A_28] : memref<320000xi32, #tpu.memory_space<hbm>> -> memref<80xi32, #tpu.memory_space<hbm>>
        tpu.wait_dma2 semaphore(%run_scoped3A : memref<!tpu.dma_semaphore, #tpu.memory_space<semaphore_mem>>) src(%dma_wait3A_65 : memref<80xi32, #tpu.memory_space<hbm>>) dst(%arg9 : memref<80xi32, #tpu.memory_space<vmem>>)
        tpu.yield
      }) : () -> ()
      %dma_start3A_37 = arith.constant 0 : i32
      %dma_start3A_38 = arith.constant 0 : i32
      %dma_start3A_39 = tpu.memref_slice %arg2[%dma_start3A_37, %dma_start3A_38] : memref<10000x128xf32, #tpu.memory_space<hbm>> -> memref<10000x128xf32, #tpu.memory_space<hbm>>
      tpu.enqueue_indirect_dma source(%dma_start3A_39 : memref<10000x128xf32, #tpu.memory_space<hbm>>) target(%arg12 : memref<80x128xf32, #tpu.memory_space<vmem>>) offsets(%arg8 : memref<80xi32, #tpu.memory_space<vmem>>) semaphore(%arg16 : memref<!tpu.dma_semaphore, #tpu.memory_space<semaphore_mem>>)
      %dma_start3A_40 = arith.constant 0 : i32
      %dma_start3A_41 = arith.constant 0 : i32
      %dma_start3A_42 = tpu.memref_slice %arg3[%dma_start3A_40, %dma_start3A_41] : memref<10000x128xf32, #tpu.memory_space<hbm>> -> memref<10000x128xf32, #tpu.memory_space<hbm>>
      tpu.enqueue_indirect_dma source(%dma_start3A_42 : memref<10000x128xf32, #tpu.memory_space<hbm>>) target(%arg13 : memref<80x128xf32, #tpu.memory_space<vmem>>) offsets(%arg9 : memref<80xi32, #tpu.memory_space<vmem>>) semaphore(%arg17 : memref<!tpu.dma_semaphore, #tpu.memory_space<semaphore_mem>>)
      "tpu.region"() ({
        %run_scoped3A = tpu.sem_alloc : memref<!tpu.dma_semaphore, #tpu.memory_space<semaphore_mem>>
        %dma_start3A_62 = tpu.memref_slice %arg4[%multiple_of3A_36] : memref<320000xi32, #tpu.memory_space<hbm>> -> memref<80xi32, #tpu.memory_space<hbm>>
        %dma_start3A_63 = tpu.memref_slice %arg4[%multiple_of3A_36] : memref<320000xi32, #tpu.memory_space<hbm>> -> memref<80xi32, #tpu.memory_space<hbm>>
        tpu.enqueue_dma source(%dma_start3A_63 : memref<80xi32, #tpu.memory_space<hbm>>) target(%arg10 : memref<80xi32, #tpu.memory_space<vmem>>) target_semaphore(%run_scoped3A : memref<!tpu.dma_semaphore, #tpu.memory_space<semaphore_mem>>)
        %dma_wait3A_64 = tpu.memref_slice %arg4[%multiple_of3A_36] : memref<320000xi32, #tpu.memory_space<hbm>> -> memref<80xi32, #tpu.memory_space<hbm>>
        %dma_wait3A_65 = tpu.memref_slice %arg4[%multiple_of3A_36] : memref<320000xi32, #tpu.memory_space<hbm>> -> memref<80xi32, #tpu.memory_space<hbm>>
        tpu.wait_dma2 semaphore(%run_scoped3A : memref<!tpu.dma_semaphore, #tpu.memory_space<semaphore_mem>>) src(%dma_wait3A_65 : memref<80xi32, #tpu.memory_space<hbm>>) dst(%arg10 : memref<80xi32, #tpu.memory_space<vmem>>)
        tpu.yield
      }) : () -> ()
      "tpu.region"() ({
        %run_scoped3A = tpu.sem_alloc : memref<!tpu.dma_semaphore, #tpu.memory_space<semaphore_mem>>
        %dma_start3A_62 = tpu.memref_slice %arg5[%multiple_of3A_36] : memref<320000xi32, #tpu.memory_space<hbm>> -> memref<80xi32, #tpu.memory_space<hbm>>
        %dma_start3A_63 = tpu.memref_slice %arg5[%multiple_of3A_36] : memref<320000xi32, #tpu.memory_space<hbm>> -> memref<80xi32, #tpu.memory_space<hbm>>
        tpu.enqueue_dma source(%dma_start3A_63 : memref<80xi32, #tpu.memory_space<hbm>>) target(%arg11 : memref<80xi32, #tpu.memory_space<vmem>>) target_semaphore(%run_scoped3A : memref<!tpu.dma_semaphore, #tpu.memory_space<semaphore_mem>>)
        %dma_wait3A_64 = tpu.memref_slice %arg5[%multiple_of3A_36] : memref<320000xi32, #tpu.memory_space<hbm>> -> memref<80xi32, #tpu.memory_space<hbm>>
        %dma_wait3A_65 = tpu.memref_slice %arg5[%multiple_of3A_36] : memref<320000xi32, #tpu.memory_space<hbm>> -> memref<80xi32, #tpu.memory_space<hbm>>
        tpu.wait_dma2 semaphore(%run_scoped3A : memref<!tpu.dma_semaphore, #tpu.memory_space<semaphore_mem>>) src(%dma_wait3A_65 : memref<80xi32, #tpu.memory_space<hbm>>) dst(%arg11 : memref<80xi32, #tpu.memory_space<vmem>>)
        tpu.yield
      }) : () -> ()
      %dma_start3A_43 = arith.constant 0 : i32
      %dma_start3A_44 = arith.constant 0 : i32
      %dma_start3A_45 = tpu.memref_slice %arg2[%dma_start3A_43, %dma_start3A_44] : memref<10000x128xf32, #tpu.memory_space<hbm>> -> memref<10000x128xf32, #tpu.memory_space<hbm>>
      tpu.enqueue_indirect_dma source(%dma_start3A_45 : memref<10000x128xf32, #tpu.memory_space<hbm>>) target(%arg14 : memref<80x128xf32, #tpu.memory_space<vmem>>) offsets(%arg10 : memref<80xi32, #tpu.memory_space<vmem>>) semaphore(%arg18 : memref<!tpu.dma_semaphore, #tpu.memory_space<semaphore_mem>>)
      %dma_start3A_46 = arith.constant 0 : i32
      %dma_start3A_47 = arith.constant 0 : i32
      %dma_start3A_48 = tpu.memref_slice %arg3[%dma_start3A_46, %dma_start3A_47] : memref<10000x128xf32, #tpu.memory_space<hbm>> -> memref<10000x128xf32, #tpu.memory_space<hbm>>
      tpu.enqueue_indirect_dma source(%dma_start3A_48 : memref<10000x128xf32, #tpu.memory_space<hbm>>) target(%arg15 : memref<80x128xf32, #tpu.memory_space<vmem>>) offsets(%arg11 : memref<80xi32, #tpu.memory_space<vmem>>) semaphore(%arg19 : memref<!tpu.dma_semaphore, #tpu.memory_space<semaphore_mem>>)
      %dma_wait3A_49 = arith.constant 0 : i32
      %dma_wait3A_50 = arith.constant 0 : i32
      %dma_wait3A_51 = tpu.memref_slice %arg2[%dma_wait3A_49, %dma_wait3A_50] : memref<10000x128xf32, #tpu.memory_space<hbm>> -> memref<10000x128xf32, #tpu.memory_space<hbm>>
      tpu.wait_indirect_dma semaphore(%arg16 : memref<!tpu.dma_semaphore, #tpu.memory_space<semaphore_mem>>) src(%dma_wait3A_51 : memref<10000x128xf32, #tpu.memory_space<hbm>>) dst(%arg12 : memref<80x128xf32, #tpu.memory_space<vmem>>)
      %dma_wait3A_52 = arith.constant 0 : i32
      %dma_wait3A_53 = arith.constant 0 : i32
      %dma_wait3A_54 = tpu.memref_slice %arg3[%dma_wait3A_52, %dma_wait3A_53] : memref<10000x128xf32, #tpu.memory_space<hbm>> -> memref<10000x128xf32, #tpu.memory_space<hbm>>
      tpu.wait_indirect_dma semaphore(%arg17 : memref<!tpu.dma_semaphore, #tpu.memory_space<semaphore_mem>>) src(%dma_wait3A_54 : memref<10000x128xf32, #tpu.memory_space<hbm>>) dst(%arg13 : memref<80x128xf32, #tpu.memory_space<vmem>>)
      "tpu.region"() ({
        %run_scoped3A = tpu.sem_alloc : memref<!tpu.dma_semaphore, #tpu.memory_space<semaphore_mem>>
        %dma_start3A_62 = arith.constant 0 : i32
        %dma_start3A_63 = tpu.memref_slice %arg6[%multiple_of3A_28, %dma_start3A_62] : memref<320000x128xf32, #tpu.memory_space<hbm>> -> memref<80x128xf32, #tpu.memory_space<hbm>>
        %dma_start3A_64 = arith.constant 0 : i32
        %dma_start3A_65 = tpu.memref_slice %arg6[%multiple_of3A_28, %dma_start3A_64] : memref<320000x128xf32, #tpu.memory_space<hbm>> -> memref<80x128xf32, #tpu.memory_space<hbm>>
        tpu.enqueue_dma source(%arg12 : memref<80x128xf32, #tpu.memory_space<vmem>>) target(%dma_start3A_65 : memref<80x128xf32, #tpu.memory_space<hbm>>) target_semaphore(%run_scoped3A : memref<!tpu.dma_semaphore, #tpu.memory_space<semaphore_mem>>)
        %dma_wait3A_66 = arith.constant 0 : i32
        %dma_wait3A_67 = tpu.memref_slice %arg6[%multiple_of3A_28, %dma_wait3A_66] : memref<320000x128xf32, #tpu.memory_space<hbm>> -> memref<80x128xf32, #tpu.memory_space<hbm>>
        %dma_wait3A_68 = arith.constant 0 : i32
        %dma_wait3A_69 = tpu.memref_slice %arg6[%multiple_of3A_28, %dma_wait3A_68] : memref<320000x128xf32, #tpu.memory_space<hbm>> -> memref<80x128xf32, #tpu.memory_space<hbm>>
        tpu.wait_dma2 semaphore(%run_scoped3A : memref<!tpu.dma_semaphore, #tpu.memory_space<semaphore_mem>>) src(%arg12 : memref<80x128xf32, #tpu.memory_space<vmem>>) dst(%dma_wait3A_69 : memref<80x128xf32, #tpu.memory_space<hbm>>)
        tpu.yield
      }) : () -> ()
      "tpu.region"() ({
        %run_scoped3A = tpu.sem_alloc : memref<!tpu.dma_semaphore, #tpu.memory_space<semaphore_mem>>
        %dma_start3A_62 = arith.constant 0 : i32
        %dma_start3A_63 = tpu.memref_slice %arg7[%multiple_of3A_28, %dma_start3A_62] : memref<320000x128xf32, #tpu.memory_space<hbm>> -> memref<80x128xf32, #tpu.memory_space<hbm>>
        %dma_start3A_64 = arith.constant 0 : i32
        %dma_start3A_65 = tpu.memref_slice %arg7[%multiple_of3A_28, %dma_start3A_64] : memref<320000x128xf32, #tpu.memory_space<hbm>> -> memref<80x128xf32, #tpu.memory_space<hbm>>
        tpu.enqueue_dma source(%arg13 : memref<80x128xf32, #tpu.memory_space<vmem>>) target(%dma_start3A_65 : memref<80x128xf32, #tpu.memory_space<hbm>>) target_semaphore(%run_scoped3A : memref<!tpu.dma_semaphore, #tpu.memory_space<semaphore_mem>>)
        %dma_wait3A_66 = arith.constant 0 : i32
        %dma_wait3A_67 = tpu.memref_slice %arg7[%multiple_of3A_28, %dma_wait3A_66] : memref<320000x128xf32, #tpu.memory_space<hbm>> -> memref<80x128xf32, #tpu.memory_space<hbm>>
        %dma_wait3A_68 = arith.constant 0 : i32
        %dma_wait3A_69 = tpu.memref_slice %arg7[%multiple_of3A_28, %dma_wait3A_68] : memref<320000x128xf32, #tpu.memory_space<hbm>> -> memref<80x128xf32, #tpu.memory_space<hbm>>
        tpu.wait_dma2 semaphore(%run_scoped3A : memref<!tpu.dma_semaphore, #tpu.memory_space<semaphore_mem>>) src(%arg13 : memref<80x128xf32, #tpu.memory_space<vmem>>) dst(%dma_wait3A_69 : memref<80x128xf32, #tpu.memory_space<hbm>>)
        tpu.yield
      }) : () -> ()
      %dma_wait3A_55 = arith.constant 0 : i32
      %dma_wait3A_56 = arith.constant 0 : i32
      %dma_wait3A_57 = tpu.memref_slice %arg2[%dma_wait3A_55, %dma_wait3A_56] : memref<10000x128xf32, #tpu.memory_space<hbm>> -> memref<10000x128xf32, #tpu.memory_space<hbm>>
      tpu.wait_indirect_dma semaphore(%arg18 : memref<!tpu.dma_semaphore, #tpu.memory_space<semaphore_mem>>) src(%dma_wait3A_57 : memref<10000x128xf32, #tpu.memory_space<hbm>>) dst(%arg14 : memref<80x128xf32, #tpu.memory_space<vmem>>)
      %dma_wait3A_58 = arith.constant 0 : i32
      %dma_wait3A_59 = arith.constant 0 : i32
      %dma_wait3A_60 = tpu.memref_slice %arg3[%dma_wait3A_58, %dma_wait3A_59] : memref<10000x128xf32, #tpu.memory_space<hbm>> -> memref<10000x128xf32, #tpu.memory_space<hbm>>
      tpu.wait_indirect_dma semaphore(%arg19 : memref<!tpu.dma_semaphore, #tpu.memory_space<semaphore_mem>>) src(%dma_wait3A_60 : memref<10000x128xf32, #tpu.memory_space<hbm>>) dst(%arg15 : memref<80x128xf32, #tpu.memory_space<vmem>>)
      "tpu.region"() ({
        %run_scoped3A = tpu.sem_alloc : memref<!tpu.dma_semaphore, #tpu.memory_space<semaphore_mem>>
        %dma_start3A_62 = arith.constant 0 : i32
        %dma_start3A_63 = tpu.memref_slice %arg6[%multiple_of3A_36, %dma_start3A_62] : memref<320000x128xf32, #tpu.memory_space<hbm>> -> memref<80x128xf32, #tpu.memory_space<hbm>>
        %dma_start3A_64 = arith.constant 0 : i32
        %dma_start3A_65 = tpu.memref_slice %arg6[%multiple_of3A_36, %dma_start3A_64] : memref<320000x128xf32, #tpu.memory_space<hbm>> -> memref<80x128xf32, #tpu.memory_space<hbm>>
        tpu.enqueue_dma source(%arg14 : memref<80x128xf32, #tpu.memory_space<vmem>>) target(%dma_start3A_65 : memref<80x128xf32, #tpu.memory_space<hbm>>) target_semaphore(%run_scoped3A : memref<!tpu.dma_semaphore, #tpu.memory_space<semaphore_mem>>)
        %dma_wait3A_66 = arith.constant 0 : i32
        %dma_wait3A_67 = tpu.memref_slice %arg6[%multiple_of3A_36, %dma_wait3A_66] : memref<320000x128xf32, #tpu.memory_space<hbm>> -> memref<80x128xf32, #tpu.memory_space<hbm>>
        %dma_wait3A_68 = arith.constant 0 : i32
        %dma_wait3A_69 = tpu.memref_slice %arg6[%multiple_of3A_36, %dma_wait3A_68] : memref<320000x128xf32, #tpu.memory_space<hbm>> -> memref<80x128xf32, #tpu.memory_space<hbm>>
        tpu.wait_dma2 semaphore(%run_scoped3A : memref<!tpu.dma_semaphore, #tpu.memory_space<semaphore_mem>>) src(%arg14 : memref<80x128xf32, #tpu.memory_space<vmem>>) dst(%dma_wait3A_69 : memref<80x128xf32, #tpu.memory_space<hbm>>)
        tpu.yield
      }) : () -> ()
      "tpu.region"() ({
        %run_scoped3A = tpu.sem_alloc : memref<!tpu.dma_semaphore, #tpu.memory_space<semaphore_mem>>
        %dma_start3A_62 = arith.constant 0 : i32
        %dma_start3A_63 = tpu.memref_slice %arg7[%multiple_of3A_36, %dma_start3A_62] : memref<320000x128xf32, #tpu.memory_space<hbm>> -> memref<80x128xf32, #tpu.memory_space<hbm>>
        %dma_start3A_64 = arith.constant 0 : i32
        %dma_start3A_65 = tpu.memref_slice %arg7[%multiple_of3A_36, %dma_start3A_64] : memref<320000x128xf32, #tpu.memory_space<hbm>> -> memref<80x128xf32, #tpu.memory_space<hbm>>
        tpu.enqueue_dma source(%arg15 : memref<80x128xf32, #tpu.memory_space<vmem>>) target(%dma_start3A_65 : memref<80x128xf32, #tpu.memory_space<hbm>>) target_semaphore(%run_scoped3A : memref<!tpu.dma_semaphore, #tpu.memory_space<semaphore_mem>>)
        %dma_wait3A_66 = arith.constant 0 : i32
        %dma_wait3A_67 = tpu.memref_slice %arg7[%multiple_of3A_36, %dma_wait3A_66] : memref<320000x128xf32, #tpu.memory_space<hbm>> -> memref<80x128xf32, #tpu.memory_space<hbm>>
        %dma_wait3A_68 = arith.constant 0 : i32
        %dma_wait3A_69 = tpu.memref_slice %arg7[%multiple_of3A_36, %dma_wait3A_68] : memref<320000x128xf32, #tpu.memory_space<hbm>> -> memref<80x128xf32, #tpu.memory_space<hbm>>
        tpu.wait_dma2 semaphore(%run_scoped3A : memref<!tpu.dma_semaphore, #tpu.memory_space<semaphore_mem>>) src(%arg15 : memref<80x128xf32, #tpu.memory_space<vmem>>) dst(%dma_wait3A_69 : memref<80x128xf32, #tpu.memory_space<hbm>>)
        tpu.yield
      }) : () -> ()
      %scan3A_61 = arith.constant 0 : i32
      scf.yield %scan3A_61 : i32
    }
    %scan3A_8 = arith.constant 62 : i32
    %add3A_9 = arith.constant 9920 : i32
    %add3A_10 = arith.addi %mul3A_2, %add3A_9 : i32
    %multiple_of3A = tpu.assume_multiple %add3A_10, 80 : i32
    "tpu.region"() ({
      %run_scoped3A = tpu.sem_alloc : memref<!tpu.dma_semaphore, #tpu.memory_space<semaphore_mem>>
      %dma_start3A_21 = tpu.memref_slice %arg4[%multiple_of3A] : memref<320000xi32, #tpu.memory_space<hbm>> -> memref<80xi32, #tpu.memory_space<hbm>>
      %dma_start3A_22 = tpu.memref_slice %arg4[%multiple_of3A] : memref<320000xi32, #tpu.memory_space<hbm>> -> memref<80xi32, #tpu.memory_space<hbm>>
      tpu.enqueue_dma source(%dma_start3A_22 : memref<80xi32, #tpu.memory_space<hbm>>) target(%arg8 : memref<80xi32, #tpu.memory_space<vmem>>) target_semaphore(%run_scoped3A : memref<!tpu.dma_semaphore, #tpu.memory_space<semaphore_mem>>)
      %dma_wait3A_23 = tpu.memref_slice %arg4[%multiple_of3A] : memref<320000xi32, #tpu.memory_space<hbm>> -> memref<80xi32, #tpu.memory_space<hbm>>
      %dma_wait3A_24 = tpu.memref_slice %arg4[%multiple_of3A] : memref<320000xi32, #tpu.memory_space<hbm>> -> memref<80xi32, #tpu.memory_space<hbm>>
      tpu.wait_dma2 semaphore(%run_scoped3A : memref<!tpu.dma_semaphore, #tpu.memory_space<semaphore_mem>>) src(%dma_wait3A_24 : memref<80xi32, #tpu.memory_space<hbm>>) dst(%arg8 : memref<80xi32, #tpu.memory_space<vmem>>)
      tpu.yield
    }) : () -> ()
    "tpu.region"() ({
      %run_scoped3A = tpu.sem_alloc : memref<!tpu.dma_semaphore, #tpu.memory_space<semaphore_mem>>
      %dma_start3A_21 = tpu.memref_slice %arg5[%multiple_of3A] : memref<320000xi32, #tpu.memory_space<hbm>> -> memref<80xi32, #tpu.memory_space<hbm>>
      %dma_start3A_22 = tpu.memref_slice %arg5[%multiple_of3A] : memref<320000xi32, #tpu.memory_space<hbm>> -> memref<80xi32, #tpu.memory_space<hbm>>
      tpu.enqueue_dma source(%dma_start3A_22 : memref<80xi32, #tpu.memory_space<hbm>>) target(%arg9 : memref<80xi32, #tpu.memory_space<vmem>>) target_semaphore(%run_scoped3A : memref<!tpu.dma_semaphore, #tpu.memory_space<semaphore_mem>>)
      %dma_wait3A_23 = tpu.memref_slice %arg5[%multiple_of3A] : memref<320000xi32, #tpu.memory_space<hbm>> -> memref<80xi32, #tpu.memory_space<hbm>>
      %dma_wait3A_24 = tpu.memref_slice %arg5[%multiple_of3A] : memref<320000xi32, #tpu.memory_space<hbm>> -> memref<80xi32, #tpu.memory_space<hbm>>
      tpu.wait_dma2 semaphore(%run_scoped3A : memref<!tpu.dma_semaphore, #tpu.memory_space<semaphore_mem>>) src(%dma_wait3A_24 : memref<80xi32, #tpu.memory_space<hbm>>) dst(%arg9 : memref<80xi32, #tpu.memory_space<vmem>>)
      tpu.yield
    }) : () -> ()
    %dma_start3A = arith.constant 0 : i32
    %dma_start3A_11 = arith.constant 0 : i32
    %dma_start3A_12 = tpu.memref_slice %arg2[%dma_start3A, %dma_start3A_11] : memref<10000x128xf32, #tpu.memory_space<hbm>> -> memref<10000x128xf32, #tpu.memory_space<hbm>>
    tpu.enqueue_indirect_dma source(%dma_start3A_12 : memref<10000x128xf32, #tpu.memory_space<hbm>>) target(%arg12 : memref<80x128xf32, #tpu.memory_space<vmem>>) offsets(%arg8 : memref<80xi32, #tpu.memory_space<vmem>>) semaphore(%arg16 : memref<!tpu.dma_semaphore, #tpu.memory_space<semaphore_mem>>)
    %dma_start3A_13 = arith.constant 0 : i32
    %dma_start3A_14 = arith.constant 0 : i32
    %dma_start3A_15 = tpu.memref_slice %arg3[%dma_start3A_13, %dma_start3A_14] : memref<10000x128xf32, #tpu.memory_space<hbm>> -> memref<10000x128xf32, #tpu.memory_space<hbm>>
    tpu.enqueue_indirect_dma source(%dma_start3A_15 : memref<10000x128xf32, #tpu.memory_space<hbm>>) target(%arg13 : memref<80x128xf32, #tpu.memory_space<vmem>>) offsets(%arg9 : memref<80xi32, #tpu.memory_space<vmem>>) semaphore(%arg17 : memref<!tpu.dma_semaphore, #tpu.memory_space<semaphore_mem>>)
    %dma_wait3A = arith.constant 0 : i32
    %dma_wait3A_16 = arith.constant 0 : i32
    %dma_wait3A_17 = tpu.memref_slice %arg2[%dma_wait3A, %dma_wait3A_16] : memref<10000x128xf32, #tpu.memory_space<hbm>> -> memref<10000x128xf32, #tpu.memory_space<hbm>>
    tpu.wait_indirect_dma semaphore(%arg16 : memref<!tpu.dma_semaphore, #tpu.memory_space<semaphore_mem>>) src(%dma_wait3A_17 : memref<10000x128xf32, #tpu.memory_space<hbm>>) dst(%arg12 : memref<80x128xf32, #tpu.memory_space<vmem>>)
    %dma_wait3A_18 = arith.constant 0 : i32
    %dma_wait3A_19 = arith.constant 0 : i32
    %dma_wait3A_20 = tpu.memref_slice %arg3[%dma_wait3A_18, %dma_wait3A_19] : memref<10000x128xf32, #tpu.memory_space<hbm>> -> memref<10000x128xf32, #tpu.memory_space<hbm>>
    tpu.wait_indirect_dma semaphore(%arg17 : memref<!tpu.dma_semaphore, #tpu.memory_space<semaphore_mem>>) src(%dma_wait3A_20 : memref<10000x128xf32, #tpu.memory_space<hbm>>) dst(%arg13 : memref<80x128xf32, #tpu.memory_space<vmem>>)
    "tpu.region"() ({
      %run_scoped3A = tpu.sem_alloc : memref<!tpu.dma_semaphore, #tpu.memory_space<semaphore_mem>>
      %dma_start3A_21 = arith.constant 0 : i32
      %dma_start3A_22 = tpu.memref_slice %arg6[%multiple_of3A, %dma_start3A_21] : memref<320000x128xf32, #tpu.memory_space<hbm>> -> memref<80x128xf32, #tpu.memory_space<hbm>>
      %dma_start3A_23 = arith.constant 0 : i32
      %dma_start3A_24 = tpu.memref_slice %arg6[%multiple_of3A, %dma_start3A_23] : memref<320000x128xf32, #tpu.memory_space<hbm>> -> memref<80x128xf32, #tpu.memory_space<hbm>>
      tpu.enqueue_dma source(%arg12 : memref<80x128xf32, #tpu.memory_space<vmem>>) target(%dma_start3A_24 : memref<80x128xf32, #tpu.memory_space<hbm>>) target_semaphore(%run_scoped3A : memref<!tpu.dma_semaphore, #tpu.memory_space<semaphore_mem>>)
      %dma_wait3A_25 = arith.constant 0 : i32
      %dma_wait3A_26 = tpu.memref_slice %arg6[%multiple_of3A, %dma_wait3A_25] : memref<320000x128xf32, #tpu.memory_space<hbm>> -> memref<80x128xf32, #tpu.memory_space<hbm>>
      %dma_wait3A_27 = arith.constant 0 : i32
      %dma_wait3A_28 = tpu.memref_slice %arg6[%multiple_of3A, %dma_wait3A_27] : memref<320000x128xf32, #tpu.memory_space<hbm>> -> memref<80x128xf32, #tpu.memory_space<hbm>>
      tpu.wait_dma2 semaphore(%run_scoped3A : memref<!tpu.dma_semaphore, #tpu.memory_space<semaphore_mem>>) src(%arg12 : memref<80x128xf32, #tpu.memory_space<vmem>>) dst(%dma_wait3A_28 : memref<80x128xf32, #tpu.memory_space<hbm>>)
      tpu.yield
    }) : () -> ()
    "tpu.region"() ({
      %run_scoped3A = tpu.sem_alloc : memref<!tpu.dma_semaphore, #tpu.memory_space<semaphore_mem>>
      %dma_start3A_21 = arith.constant 0 : i32
      %dma_start3A_22 = tpu.memref_slice %arg7[%multiple_of3A, %dma_start3A_21] : memref<320000x128xf32, #tpu.memory_space<hbm>> -> memref<80x128xf32, #tpu.memory_space<hbm>>
      %dma_start3A_23 = arith.constant 0 : i32
      %dma_start3A_24 = tpu.memref_slice %arg7[%multiple_of3A, %dma_start3A_23] : memref<320000x128xf32, #tpu.memory_space<hbm>> -> memref<80x128xf32, #tpu.memory_space<hbm>>
      tpu.enqueue_dma source(%arg13 : memref<80x128xf32, #tpu.memory_space<vmem>>) target(%dma_start3A_24 : memref<80x128xf32, #tpu.memory_space<hbm>>) target_semaphore(%run_scoped3A : memref<!tpu.dma_semaphore, #tpu.memory_space<semaphore_mem>>)
      %dma_wait3A_25 = arith.constant 0 : i32
      %dma_wait3A_26 = tpu.memref_slice %arg7[%multiple_of3A, %dma_wait3A_25] : memref<320000x128xf32, #tpu.memory_space<hbm>> -> memref<80x128xf32, #tpu.memory_space<hbm>>
      %dma_wait3A_27 = arith.constant 0 : i32
      %dma_wait3A_28 = tpu.memref_slice %arg7[%multiple_of3A, %dma_wait3A_27] : memref<320000x128xf32, #tpu.memory_space<hbm>> -> memref<80x128xf32, #tpu.memory_space<hbm>>
      tpu.wait_dma2 semaphore(%run_scoped3A : memref<!tpu.dma_semaphore, #tpu.memory_space<semaphore_mem>>) src(%arg13 : memref<80x128xf32, #tpu.memory_space<vmem>>) dst(%dma_wait3A_28 : memref<80x128xf32, #tpu.memory_space<hbm>>)
      tpu.yield
    }) : () -> ()
    return
  }
}

module attributes {stable_mosaic.version = 14 : i64} {
  func.func @_proj_body(%arg0: i32, %arg1: memref<1000x128xf32, #tpu.memory_space<vmem>>, %arg2: memref<128x128xf32, #tpu.memory_space<vmem>>, %arg3: memref<128x128xf32, #tpu.memory_space<vmem>>, %arg4: memref<1000x128xf32, #tpu.memory_space<vmem>>, %arg5: memref<1000x128xf32, #tpu.memory_space<vmem>>) attributes {dimension_semantics = [#tpu.dimension_semantics<arbitrary>], iteration_bounds = array<i64: 10>, scalar_prefetch = 0 : i64, scratch_operands = 0 : i64, tpu.core_type = #tpu.core_type<tc>, window_params = [{transform_indices = @transform_0, window_bounds = array<i64: 1000, 128>}, {pipeline_mode = #tpu.pipeline_mode<synchronous>, transform_indices = @transform_1, window_bounds = array<i64: 128, 128>}, {pipeline_mode = #tpu.pipeline_mode<synchronous>, transform_indices = @transform_2, window_bounds = array<i64: 128, 128>}, {transform_indices = @transform_3, window_bounds = array<i64: 1000, 128>}, {transform_indices = @transform_4, window_bounds = array<i64: 1000, 128>}]} {
    %get3A = arith.constant 0 : index
    %get3A_0 = arith.constant 0 : index
    %get3A_1 = vector.load %arg1[%get3A, %get3A_0] : memref<1000x128xf32, #tpu.memory_space<vmem>>, vector<1000x128xf32>
    %get3A_2 = arith.constant 0 : index
    %get3A_3 = arith.constant 0 : index
    %get3A_4 = vector.load %arg2[%get3A_2, %get3A_3] : memref<128x128xf32, #tpu.memory_space<vmem>>, vector<128x128xf32>
    %dot_general3A = arith.constant dense<0.000000e+00> : vector<1000x128xf32>
    %dot_general3A_5 = tpu.matmul %get3A_1, %get3A_4, %dot_general3A {dimension_numbers = #tpu.dot_dimension_numbers<[1], [0], [0], [1], [0, 0, 1, 1], [], []>, transpose_lhs_hint = false} : vector<1000x128xf32>, vector<128x128xf32>, vector<1000x128xf32> -> vector<1000x128xf32>
    %swap3A = arith.constant 0 : index
    %swap3A_6 = arith.constant 0 : index
    %swap3A_7 = vector.load %arg4[%swap3A, %swap3A_6] : memref<1000x128xf32, #tpu.memory_space<vmem>>, vector<1000x128xf32>
    tpu.vector_store %arg4[%swap3A, %swap3A_6], %dot_general3A_5 {strides = array<i32>} : memref<1000x128xf32, #tpu.memory_space<vmem>>, vector<1000x128xf32>,
    %get3A_8 = arith.constant 0 : index
    %get3A_9 = arith.constant 0 : index
    %get3A_10 = vector.load %arg3[%get3A_8, %get3A_9] : memref<128x128xf32, #tpu.memory_space<vmem>>, vector<128x128xf32>
    %dot_general3A_11 = arith.constant dense<0.000000e+00> : vector<1000x128xf32>
    %dot_general3A_12 = tpu.matmul %get3A_1, %get3A_10, %dot_general3A_11 {dimension_numbers = #tpu.dot_dimension_numbers<[1], [0], [0], [1], [0, 0, 1, 1], [], []>, transpose_lhs_hint = false} : vector<1000x128xf32>, vector<128x128xf32>, vector<1000x128xf32> -> vector<1000x128xf32>
    %swap3A_13 = arith.constant 0 : index
    %swap3A_14 = arith.constant 0 : index
    %swap3A_15 = vector.load %arg5[%swap3A_13, %swap3A_14] : memref<1000x128xf32, #tpu.memory_space<vmem>>, vector<1000x128xf32>
    tpu.vector_store %arg5[%swap3A_13, %swap3A_14], %dot_general3A_12 {strides = array<i32>} : memref<1000x128xf32, #tpu.memory_space<vmem>>, vector<1000x128xf32>,
    return
  }
  func.func @transform_0(%arg0: i32) -> (i32, i32) {
    %c0_i32 = arith.constant 0 : i32
    %c0_i32_0 = arith.constant 0 : i32
    return %arg0, %c0_i32 : i32, i32
  }
  func.func @transform_1(%arg0: i32) -> (i32, i32) {
    %c0_i32 = arith.constant 0 : i32
    %c0_i32_0 = arith.constant 0 : i32
    %c0_i32_1 = arith.constant 0 : i32
    return %c0_i32, %c0_i32_0 : i32, i32
  }
  func.func @transform_2(%arg0: i32) -> (i32, i32) {
    %c0_i32 = arith.constant 0 : i32
    %c0_i32_0 = arith.constant 0 : i32
    %c0_i32_1 = arith.constant 0 : i32
    return %c0_i32, %c0_i32_0 : i32, i32
  }
  func.func @transform_3(%arg0: i32) -> (i32, i32) {
    %c0_i32 = arith.constant 0 : i32
    %c0_i32_0 = arith.constant 0 : i32
    return %arg0, %c0_i32 : i32, i32
  }
  func.func @transform_4(%arg0: i32) -> (i32, i32) {
    %c0_i32 = arith.constant 0 : i32
    %c0_i32_0 = arith.constant 0 : i32
    return %arg0, %c0_i32 : i32, i32
  }
}

module attributes {stable_mosaic.version = 14 : i64} {
  func.func @_edge_body(%arg0: i32, %arg1: memref<2000x128xf32, #tpu.memory_space<vmem>>, %arg2: memref<2000x128xf32, #tpu.memory_space<vmem>>, %arg3: memref<2000x128xf32, #tpu.memory_space<vmem>>, %arg4: memref<128x128xf32, #tpu.memory_space<vmem>>, %arg5: memref<1x128xf32, #tpu.memory_space<vmem>>, %arg6: memref<128x128xf32, #tpu.memory_space<vmem>>, %arg7: memref<1x128xf32, #tpu.memory_space<vmem>>, %arg8: memref<128x128xf32, #tpu.memory_space<vmem>>, %arg9: memref<1x128xf32, #tpu.memory_space<vmem>>, %arg10: memref<128x128xf32, #tpu.memory_space<vmem>>, %arg11: memref<1x128xf32, #tpu.memory_space<vmem>>, %arg12: memref<2000x128xf32, #tpu.memory_space<vmem>>, %arg13: memref<2000x128xf32, #tpu.memory_space<vmem>>) attributes {dimension_semantics = [#tpu.dimension_semantics<arbitrary>], iteration_bounds = array<i64: 160>, scalar_prefetch = 0 : i64, scratch_operands = 0 : i64, tpu.core_type = #tpu.core_type<tc>, window_params = [{transform_indices = @transform_0, window_bounds = array<i64: 2000, 128>}, {transform_indices = @transform_1, window_bounds = array<i64: 2000, 128>}, {transform_indices = @transform_2, window_bounds = array<i64: 2000, 128>}, {pipeline_mode = #tpu.pipeline_mode<synchronous>, transform_indices = @transform_3, window_bounds = array<i64: 128, 128>}, {pipeline_mode = #tpu.pipeline_mode<synchronous>, transform_indices = @transform_4, window_bounds = array<i64: 1, 128>}, {pipeline_mode = #tpu.pipeline_mode<synchronous>, transform_indices = @transform_5, window_bounds = array<i64: 128, 128>}, {pipeline_mode = #tpu.pipeline_mode<synchronous>, transform_indices = @transform_6, window_bounds = array<i64: 1, 128>}, {pipeline_mode = #tpu.pipeline_mode<synchronous>, transform_indices = @transform_7, window_bounds = array<i64: 128, 128>}, {pipeline_mode = #tpu.pipeline_mode<synchronous>, transform_indices = @transform_8, window_bounds = array<i64: 1, 128>}, {pipeline_mode = #tpu.pipeline_mode<synchronous>, transform_indices = @transform_9, window_bounds = array<i64: 128, 128>}, {pipeline_mode = #tpu.pipeline_mode<synchronous>, transform_indices = @transform_10, window_bounds = array<i64: 1, 128>}, {transform_indices = @transform_11, window_bounds = array<i64: 2000, 128>}, {transform_indices = @transform_12, window_bounds = array<i64: 2000, 128>}]} {
    %get3A = arith.constant 0 : index
    %get3A_0 = arith.constant 0 : index
    %get3A_1 = vector.load %arg3[%get3A, %get3A_0] : memref<2000x128xf32, #tpu.memory_space<vmem>>, vector<2000x128xf32>
    %get3A_2 = arith.constant 0 : index
    %get3A_3 = arith.constant 0 : index
    %get3A_4 = vector.load %arg1[%get3A_2, %get3A_3] : memref<2000x128xf32, #tpu.memory_space<vmem>>, vector<2000x128xf32>
    %get3A_5 = arith.constant 0 : index
    %get3A_6 = arith.constant 0 : index
    %get3A_7 = vector.load %arg2[%get3A_5, %get3A_6] : memref<2000x128xf32, #tpu.memory_space<vmem>>, vector<2000x128xf32>
    %add3A = arith.addf %get3A_4, %get3A_7 : vector<2000x128xf32>
    %get3A_8 = arith.constant 0 : index
    %get3A_9 = arith.constant 0 : index
    %get3A_10 = vector.load %arg4[%get3A_8, %get3A_9] : memref<128x128xf32, #tpu.memory_space<vmem>>, vector<128x128xf32>
    %dot_general3A = arith.constant dense<0.000000e+00> : vector<2000x128xf32>
    %dot_general3A_11 = tpu.matmul %get3A_1, %get3A_10, %dot_general3A {dimension_numbers = #tpu.dot_dimension_numbers<[1], [0], [0], [1], [0, 0, 1, 1], [], []>, transpose_lhs_hint = false} : vector<2000x128xf32>, vector<128x128xf32>, vector<2000x128xf32> -> vector<2000x128xf32>
    %add3A_12 = arith.addf %add3A, %dot_general3A_11 : vector<2000x128xf32>
    %get3A_13 = arith.constant 0 : index
    %get3A_14 = arith.constant 0 : index
    %get3A_15 = vector.load %arg5[%get3A_13, %get3A_14] : memref<1x128xf32, #tpu.memory_space<vmem>>, vector<1x128xf32>
    %add3A_16 = vector.broadcast %get3A_15 : vector<1x128xf32> to vector<2000x128xf32>
    %add3A_17 = arith.addf %add3A_12, %add3A_16 : vector<2000x128xf32>
    %max3A = arith.constant 0.000000e+00 : f32
    %max3A_18 = vector.broadcast %max3A : f32 to vector<2000x128xf32>
    %max3A_19 = arith.maximumf %add3A_17, %max3A_18 : vector<2000x128xf32>
    %get3A_20 = arith.constant 0 : index
    %get3A_21 = arith.constant 0 : index
    %get3A_22 = vector.load %arg6[%get3A_20, %get3A_21] : memref<128x128xf32, #tpu.memory_space<vmem>>, vector<128x128xf32>
    %dot_general3A_23 = arith.constant dense<0.000000e+00> : vector<2000x128xf32>
    %dot_general3A_24 = tpu.matmul %max3A_19, %get3A_22, %dot_general3A_23 {dimension_numbers = #tpu.dot_dimension_numbers<[1], [0], [0], [1], [0, 0, 1, 1], [], []>, transpose_lhs_hint = false} : vector<2000x128xf32>, vector<128x128xf32>, vector<2000x128xf32> -> vector<2000x128xf32>
    %get3A_25 = arith.constant 0 : index
    %get3A_26 = arith.constant 0 : index
    %get3A_27 = vector.load %arg7[%get3A_25, %get3A_26] : memref<1x128xf32, #tpu.memory_space<vmem>>, vector<1x128xf32>
    %add3A_28 = vector.broadcast %get3A_27 : vector<1x128xf32> to vector<2000x128xf32>
    %add3A_29 = arith.addf %dot_general3A_24, %add3A_28 : vector<2000x128xf32>
    %max3A_30 = arith.constant 0.000000e+00 : f32
    %max3A_31 = vector.broadcast %max3A_30 : f32 to vector<2000x128xf32>
    %max3A_32 = arith.maximumf %add3A_29, %max3A_31 : vector<2000x128xf32>
    %get3A_33 = arith.constant 0 : index
    %get3A_34 = arith.constant 0 : index
    %get3A_35 = vector.load %arg8[%get3A_33, %get3A_34] : memref<128x128xf32, #tpu.memory_space<vmem>>, vector<128x128xf32>
    %dot_general3A_36 = arith.constant dense<0.000000e+00> : vector<2000x128xf32>
    %dot_general3A_37 = tpu.matmul %max3A_32, %get3A_35, %dot_general3A_36 {dimension_numbers = #tpu.dot_dimension_numbers<[1], [0], [0], [1], [0, 0, 1, 1], [], []>, transpose_lhs_hint = false} : vector<2000x128xf32>, vector<128x128xf32>, vector<2000x128xf32> -> vector<2000x128xf32>
    %get3A_38 = arith.constant 0 : index
    %get3A_39 = arith.constant 0 : index
    %get3A_40 = vector.load %arg9[%get3A_38, %get3A_39] : memref<1x128xf32, #tpu.memory_space<vmem>>, vector<1x128xf32>
    %add3A_41 = vector.broadcast %get3A_40 : vector<1x128xf32> to vector<2000x128xf32>
    %add3A_42 = arith.addf %dot_general3A_37, %add3A_41 : vector<2000x128xf32>
    %max3A_43 = arith.constant 0.000000e+00 : f32
    %max3A_44 = vector.broadcast %max3A_43 : f32 to vector<2000x128xf32>
    %max3A_45 = arith.maximumf %add3A_42, %max3A_44 : vector<2000x128xf32>
    %get3A_46 = arith.constant 0 : index
    %get3A_47 = arith.constant 0 : index
    %get3A_48 = vector.load %arg10[%get3A_46, %get3A_47] : memref<128x128xf32, #tpu.memory_space<vmem>>, vector<128x128xf32>
    %dot_general3A_49 = arith.constant dense<0.000000e+00> : vector<2000x128xf32>
    %dot_general3A_50 = tpu.matmul %max3A_45, %get3A_48, %dot_general3A_49 {dimension_numbers = #tpu.dot_dimension_numbers<[1], [0], [0], [1], [0, 0, 1, 1], [], []>, transpose_lhs_hint = false} : vector<2000x128xf32>, vector<128x128xf32>, vector<2000x128xf32> -> vector<2000x128xf32>
    %get3A_51 = arith.constant 0 : index
    %get3A_52 = arith.constant 0 : index
    %get3A_53 = vector.load %arg11[%get3A_51, %get3A_52] : memref<1x128xf32, #tpu.memory_space<vmem>>, vector<1x128xf32>
    %add3A_54 = vector.broadcast %get3A_53 : vector<1x128xf32> to vector<2000x128xf32>
    %add3A_55 = arith.addf %dot_general3A_50, %add3A_54 : vector<2000x128xf32>
    %swap3A = arith.constant 0 : index
    %swap3A_56 = arith.constant 0 : index
    %swap3A_57 = vector.load %arg12[%swap3A, %swap3A_56] : memref<2000x128xf32, #tpu.memory_space<vmem>>, vector<2000x128xf32>
    tpu.vector_store %arg12[%swap3A, %swap3A_56], %add3A_55 {strides = array<i32>} : memref<2000x128xf32, #tpu.memory_space<vmem>>, vector<2000x128xf32>,
    %add3A_58 = arith.addf %get3A_1, %add3A_55 : vector<2000x128xf32>
    %swap3A_59 = arith.constant 0 : index
    %swap3A_60 = arith.constant 0 : index
    %swap3A_61 = vector.load %arg13[%swap3A_59, %swap3A_60] : memref<2000x128xf32, #tpu.memory_space<vmem>>, vector<2000x128xf32>
    tpu.vector_store %arg13[%swap3A_59, %swap3A_60], %add3A_58 {strides = array<i32>} : memref<2000x128xf32, #tpu.memory_space<vmem>>, vector<2000x128xf32>,
    return
  }
  func.func @transform_0(%arg0: i32) -> (i32, i32) {
    %c0_i32 = arith.constant 0 : i32
    %c0_i32_0 = arith.constant 0 : i32
    return %arg0, %c0_i32 : i32, i32
  }
  func.func @transform_1(%arg0: i32) -> (i32, i32) {
    %c0_i32 = arith.constant 0 : i32
    %c0_i32_0 = arith.constant 0 : i32
    return %arg0, %c0_i32 : i32, i32
  }
  func.func @transform_2(%arg0: i32) -> (i32, i32) {
    %c0_i32 = arith.constant 0 : i32
    %c0_i32_0 = arith.constant 0 : i32
    return %arg0, %c0_i32 : i32, i32
  }
  func.func @transform_3(%arg0: i32) -> (i32, i32) {
    %c0_i32 = arith.constant 0 : i32
    %c0_i32_0 = arith.constant 0 : i32
    %c0_i32_1 = arith.constant 0 : i32
    return %c0_i32, %c0_i32_0 : i32, i32
  }
  func.func @transform_4(%arg0: i32) -> (i32, i32) {
    %c0_i32 = arith.constant 0 : i32
    %c0_i32_0 = arith.constant 0 : i32
    %c0_i32_1 = arith.constant 0 : i32
    return %c0_i32, %c0_i32_0 : i32, i32
  }
  func.func @transform_5(%arg0: i32) -> (i32, i32) {
    %c0_i32 = arith.constant 0 : i32
    %c0_i32_0 = arith.constant 0 : i32
    %c0_i32_1 = arith.constant 0 : i32
    return %c0_i32, %c0_i32_0 : i32, i32
  }
  func.func @transform_6(%arg0: i32) -> (i32, i32) {
    %c0_i32 = arith.constant 0 : i32
    %c0_i32_0 = arith.constant 0 : i32
    %c0_i32_1 = arith.constant 0 : i32
    return %c0_i32, %c0_i32_0 : i32, i32
  }
  func.func @transform_7(%arg0: i32) -> (i32, i32) {
    %c0_i32 = arith.constant 0 : i32
    %c0_i32_0 = arith.constant 0 : i32
    %c0_i32_1 = arith.constant 0 : i32
    return %c0_i32, %c0_i32_0 : i32, i32
  }
  func.func @transform_8(%arg0: i32) -> (i32, i32) {
    %c0_i32 = arith.constant 0 : i32
    %c0_i32_0 = arith.constant 0 : i32
    %c0_i32_1 = arith.constant 0 : i32
    return %c0_i32, %c0_i32_0 : i32, i32
  }
  func.func @transform_9(%arg0: i32) -> (i32, i32) {
    %c0_i32 = arith.constant 0 : i32
    %c0_i32_0 = arith.constant 0 : i32
    %c0_i32_1 = arith.constant 0 : i32
    return %c0_i32, %c0_i32_0 : i32, i32
  }
  func.func @transform_10(%arg0: i32) -> (i32, i32) {
    %c0_i32 = arith.constant 0 : i32
    %c0_i32_0 = arith.constant 0 : i32
    %c0_i32_1 = arith.constant 0 : i32
    return %c0_i32, %c0_i32_0 : i32, i32
  }
  func.func @transform_11(%arg0: i32) -> (i32, i32) {
    %c0_i32 = arith.constant 0 : i32
    %c0_i32_0 = arith.constant 0 : i32
    return %arg0, %c0_i32 : i32, i32
  }
  func.func @transform_12(%arg0: i32) -> (i32, i32) {
    %c0_i32 = arith.constant 0 : i32
    %c0_i32_0 = arith.constant 0 : i32
    return %arg0, %c0_i32 : i32, i32
  }
}

module attributes {stable_mosaic.version = 14 : i64} {
  func.func @_node_body(%arg0: i32, %arg1: memref<1000x128xf32, #tpu.memory_space<vmem>>, %arg2: memref<1000x128xf32, #tpu.memory_space<vmem>>, %arg3: memref<1000x128xf32, #tpu.memory_space<vmem>>, %arg4: memref<1000x128xf32, #tpu.memory_space<vmem>>, %arg5: memref<1000x128xf32, #tpu.memory_space<vmem>>, %arg6: memref<128x128xf32, #tpu.memory_space<vmem>>, %arg7: memref<128x128xf32, #tpu.memory_space<vmem>>, %arg8: memref<1x128xf32, #tpu.memory_space<vmem>>, %arg9: memref<128x128xf32, #tpu.memory_space<vmem>>, %arg10: memref<1x128xf32, #tpu.memory_space<vmem>>, %arg11: memref<128x128xf32, #tpu.memory_space<vmem>>, %arg12: memref<1x128xf32, #tpu.memory_space<vmem>>, %arg13: memref<128x128xf32, #tpu.memory_space<vmem>>, %arg14: memref<1x128xf32, #tpu.memory_space<vmem>>, %arg15: memref<1000x128xf32, #tpu.memory_space<vmem>>) attributes {dimension_semantics = [#tpu.dimension_semantics<arbitrary>], iteration_bounds = array<i64: 10>, scalar_prefetch = 0 : i64, scratch_operands = 0 : i64, tpu.core_type = #tpu.core_type<tc>, window_params = [{transform_indices = @transform_0, window_bounds = array<i64: 1000, 128>}, {transform_indices = @transform_1, window_bounds = array<i64: 1000, 128>}, {transform_indices = @transform_2, window_bounds = array<i64: 1000, 128>}, {transform_indices = @transform_3, window_bounds = array<i64: 1000, 128>}, {transform_indices = @transform_4, window_bounds = array<i64: 1000, 128>}, {pipeline_mode = #tpu.pipeline_mode<synchronous>, transform_indices = @transform_5, window_bounds = array<i64: 128, 128>}, {pipeline_mode = #tpu.pipeline_mode<synchronous>, transform_indices = @transform_6, window_bounds = array<i64: 128, 128>}, {pipeline_mode = #tpu.pipeline_mode<synchronous>, transform_indices = @transform_7, window_bounds = array<i64: 1, 128>}, {pipeline_mode = #tpu.pipeline_mode<synchronous>, transform_indices = @transform_8, window_bounds = array<i64: 128, 128>}, {pipeline_mode = #tpu.pipeline_mode<synchronous>, transform_indices = @transform_9, window_bounds = array<i64: 1, 128>}, {pipeline_mode = #tpu.pipeline_mode<synchronous>, transform_indices = @transform_10, window_bounds = array<i64: 128, 128>}, {pipeline_mode = #tpu.pipeline_mode<synchronous>, transform_indices = @transform_11, window_bounds = array<i64: 1, 128>}, {pipeline_mode = #tpu.pipeline_mode<synchronous>, transform_indices = @transform_12, window_bounds = array<i64: 128, 128>}, {pipeline_mode = #tpu.pipeline_mode<synchronous>, transform_indices = @transform_13, window_bounds = array<i64: 1, 128>}, {transform_indices = @transform_14, window_bounds = array<i64: 1000, 128>}]} {
    %get3A = arith.constant 0 : index
    %get3A_0 = arith.constant 0 : index
    %get3A_1 = vector.load %arg1[%get3A, %get3A_0] : memref<1000x128xf32, #tpu.memory_space<vmem>>, vector<1000x128xf32>
    %get3A_2 = arith.constant 0 : index
    %get3A_3 = arith.constant 0 : index
    %get3A_4 = vector.load %arg4[%get3A_2, %get3A_3] : memref<1000x128xf32, #tpu.memory_space<vmem>>, vector<1000x128xf32>
    %slice3A = vector.extract_strided_slice %get3A_4 {offsets = [0, 0], sizes = [1000, 1], strides = [1, 1]} : vector<1000x128xf32> to vector<1000x1xf32>
    %get3A_5 = arith.constant 0 : index
    %get3A_6 = arith.constant 0 : index
    %get3A_7 = vector.load %arg5[%get3A_5, %get3A_6] : memref<1000x128xf32, #tpu.memory_space<vmem>>, vector<1000x128xf32>
    %slice3A_8 = vector.extract_strided_slice %get3A_7 {offsets = [0, 0], sizes = [1000, 1], strides = [1, 1]} : vector<1000x128xf32> to vector<1000x1xf32>
    %add3A = arith.addf %slice3A, %slice3A_8 : vector<1000x1xf32>
    %max3A = arith.constant 1.000000e+00 : f32
    %max3A_9 = vector.broadcast %max3A : f32 to vector<1000x1xf32>
    %max3A_10 = arith.maximumf %add3A, %max3A_9 : vector<1000x1xf32>
    %get3A_11 = arith.constant 0 : index
    %get3A_12 = arith.constant 0 : index
    %get3A_13 = vector.load %arg2[%get3A_11, %get3A_12] : memref<1000x128xf32, #tpu.memory_space<vmem>>, vector<1000x128xf32>
    %get3A_14 = arith.constant 0 : index
    %get3A_15 = arith.constant 0 : index
    %get3A_16 = vector.load %arg3[%get3A_14, %get3A_15] : memref<1000x128xf32, #tpu.memory_space<vmem>>, vector<1000x128xf32>
    %add3A_17 = arith.addf %get3A_13, %get3A_16 : vector<1000x128xf32>
    %div3A = vector.broadcast %max3A_10 : vector<1000x1xf32> to vector<1000x128xf32>
    %div3A_18 = arith.divf %add3A_17, %div3A : vector<1000x128xf32>
    %get3A_19 = arith.constant 0 : index
    %get3A_20 = arith.constant 0 : index
    %get3A_21 = vector.load %arg6[%get3A_19, %get3A_20] : memref<128x128xf32, #tpu.memory_space<vmem>>, vector<128x128xf32>
    %dot_general3A = arith.constant dense<0.000000e+00> : vector<1000x128xf32>
    %dot_general3A_22 = tpu.matmul %get3A_1, %get3A_21, %dot_general3A {dimension_numbers = #tpu.dot_dimension_numbers<[1], [0], [0], [1], [0, 0, 1, 1], [], []>, transpose_lhs_hint = false} : vector<1000x128xf32>, vector<128x128xf32>, vector<1000x128xf32> -> vector<1000x128xf32>
    %get3A_23 = arith.constant 0 : index
    %get3A_24 = arith.constant 0 : index
    %get3A_25 = vector.load %arg7[%get3A_23, %get3A_24] : memref<128x128xf32, #tpu.memory_space<vmem>>, vector<128x128xf32>
    %dot_general3A_26 = arith.constant dense<0.000000e+00> : vector<1000x128xf32>
    %dot_general3A_27 = tpu.matmul %div3A_18, %get3A_25, %dot_general3A_26 {dimension_numbers = #tpu.dot_dimension_numbers<[1], [0], [0], [1], [0, 0, 1, 1], [], []>, transpose_lhs_hint = false} : vector<1000x128xf32>, vector<128x128xf32>, vector<1000x128xf32> -> vector<1000x128xf32>
    %add3A_28 = arith.addf %dot_general3A_22, %dot_general3A_27 : vector<1000x128xf32>
    %get3A_29 = arith.constant 0 : index
    %get3A_30 = arith.constant 0 : index
    %get3A_31 = vector.load %arg8[%get3A_29, %get3A_30] : memref<1x128xf32, #tpu.memory_space<vmem>>, vector<1x128xf32>
    %add3A_32 = vector.broadcast %get3A_31 : vector<1x128xf32> to vector<1000x128xf32>
    %add3A_33 = arith.addf %add3A_28, %add3A_32 : vector<1000x128xf32>
    %max3A_34 = arith.constant 0.000000e+00 : f32
    %max3A_35 = vector.broadcast %max3A_34 : f32 to vector<1000x128xf32>
    %max3A_36 = arith.maximumf %add3A_33, %max3A_35 : vector<1000x128xf32>
    %get3A_37 = arith.constant 0 : index
    %get3A_38 = arith.constant 0 : index
    %get3A_39 = vector.load %arg9[%get3A_37, %get3A_38] : memref<128x128xf32, #tpu.memory_space<vmem>>, vector<128x128xf32>
    %dot_general3A_40 = arith.constant dense<0.000000e+00> : vector<1000x128xf32>
    %dot_general3A_41 = tpu.matmul %max3A_36, %get3A_39, %dot_general3A_40 {dimension_numbers = #tpu.dot_dimension_numbers<[1], [0], [0], [1], [0, 0, 1, 1], [], []>, transpose_lhs_hint = false} : vector<1000x128xf32>, vector<128x128xf32>, vector<1000x128xf32> -> vector<1000x128xf32>
    %get3A_42 = arith.constant 0 : index
    %get3A_43 = arith.constant 0 : index
    %get3A_44 = vector.load %arg10[%get3A_42, %get3A_43] : memref<1x128xf32, #tpu.memory_space<vmem>>, vector<1x128xf32>
    %add3A_45 = vector.broadcast %get3A_44 : vector<1x128xf32> to vector<1000x128xf32>
    %add3A_46 = arith.addf %dot_general3A_41, %add3A_45 : vector<1000x128xf32>
    %max3A_47 = arith.constant 0.000000e+00 : f32
    %max3A_48 = vector.broadcast %max3A_47 : f32 to vector<1000x128xf32>
    %max3A_49 = arith.maximumf %add3A_46, %max3A_48 : vector<1000x128xf32>
    %get3A_50 = arith.constant 0 : index
    %get3A_51 = arith.constant 0 : index
    %get3A_52 = vector.load %arg11[%get3A_50, %get3A_51] : memref<128x128xf32, #tpu.memory_space<vmem>>, vector<128x128xf32>
    %dot_general3A_53 = arith.constant dense<0.000000e+00> : vector<1000x128xf32>
    %dot_general3A_54 = tpu.matmul %max3A_49, %get3A_52, %dot_general3A_53 {dimension_numbers = #tpu.dot_dimension_numbers<[1], [0], [0], [1], [0, 0, 1, 1], [], []>, transpose_lhs_hint = false} : vector<1000x128xf32>, vector<128x128xf32>, vector<1000x128xf32> -> vector<1000x128xf32>
    %get3A_55 = arith.constant 0 : index
    %get3A_56 = arith.constant 0 : index
    %get3A_57 = vector.load %arg12[%get3A_55, %get3A_56] : memref<1x128xf32, #tpu.memory_space<vmem>>, vector<1x128xf32>
    %add3A_58 = vector.broadcast %get3A_57 : vector<1x128xf32> to vector<1000x128xf32>
    %add3A_59 = arith.addf %dot_general3A_54, %add3A_58 : vector<1000x128xf32>
    %max3A_60 = arith.constant 0.000000e+00 : f32
    %max3A_61 = vector.broadcast %max3A_60 : f32 to vector<1000x128xf32>
    %max3A_62 = arith.maximumf %add3A_59, %max3A_61 : vector<1000x128xf32>
    %get3A_63 = arith.constant 0 : index
    %get3A_64 = arith.constant 0 : index
    %get3A_65 = vector.load %arg13[%get3A_63, %get3A_64] : memref<128x128xf32, #tpu.memory_space<vmem>>, vector<128x128xf32>
    %dot_general3A_66 = arith.constant dense<0.000000e+00> : vector<1000x128xf32>
    %dot_general3A_67 = tpu.matmul %max3A_62, %get3A_65, %dot_general3A_66 {dimension_numbers = #tpu.dot_dimension_numbers<[1], [0], [0], [1], [0, 0, 1, 1], [], []>, transpose_lhs_hint = false} : vector<1000x128xf32>, vector<128x128xf32>, vector<1000x128xf32> -> vector<1000x128xf32>
    %add3A_68 = arith.addf %get3A_1, %dot_general3A_67 : vector<1000x128xf32>
    %get3A_69 = arith.constant 0 : index
    %get3A_70 = arith.constant 0 : index
    %get3A_71 = vector.load %arg14[%get3A_69, %get3A_70] : memref<1x128xf32, #tpu.memory_space<vmem>>, vector<1x128xf32>
    %add3A_72 = vector.broadcast %get3A_71 : vector<1x128xf32> to vector<1000x128xf32>
    %add3A_73 = arith.addf %add3A_68, %add3A_72 : vector<1000x128xf32>
    %swap3A = arith.constant 0 : index
    %swap3A_74 = arith.constant 0 : index
    %swap3A_75 = vector.load %arg15[%swap3A, %swap3A_74] : memref<1000x128xf32, #tpu.memory_space<vmem>>, vector<1000x128xf32>
    tpu.vector_store %arg15[%swap3A, %swap3A_74], %add3A_73 {strides = array<i32>} : memref<1000x128xf32, #tpu.memory_space<vmem>>, vector<1000x128xf32>,
    return
  }
  func.func @transform_0(%arg0: i32) -> (i32, i32) {
    %c0_i32 = arith.constant 0 : i32
    %c0_i32_0 = arith.constant 0 : i32
    return %arg0, %c0_i32 : i32, i32
  }
  func.func @transform_1(%arg0: i32) -> (i32, i32) {
    %c0_i32 = arith.constant 0 : i32
    %c0_i32_0 = arith.constant 0 : i32
    return %arg0, %c0_i32 : i32, i32
  }
  func.func @transform_2(%arg0: i32) -> (i32, i32) {
    %c0_i32 = arith.constant 0 : i32
    %c0_i32_0 = arith.constant 0 : i32
    return %arg0, %c0_i32 : i32, i32
  }
  func.func @transform_3(%arg0: i32) -> (i32, i32) {
    %c0_i32 = arith.constant 0 : i32
    %c0_i32_0 = arith.constant 0 : i32
    return %arg0, %c0_i32 : i32, i32
  }
  func.func @transform_4(%arg0: i32) -> (i32, i32) {
    %c0_i32 = arith.constant 0 : i32
    %c0_i32_0 = arith.constant 0 : i32
    return %arg0, %c0_i32 : i32, i32
  }
  func.func @transform_5(%arg0: i32) -> (i32, i32) {
    %c0_i32 = arith.constant 0 : i32
    %c0_i32_0 = arith.constant 0 : i32
    %c0_i32_1 = arith.constant 0 : i32
    return %c0_i32, %c0_i32_0 : i32, i32
  }
  func.func @transform_6(%arg0: i32) -> (i32, i32) {
    %c0_i32 = arith.constant 0 : i32
    %c0_i32_0 = arith.constant 0 : i32
    %c0_i32_1 = arith.constant 0 : i32
    return %c0_i32, %c0_i32_0 : i32, i32
  }
  func.func @transform_7(%arg0: i32) -> (i32, i32) {
    %c0_i32 = arith.constant 0 : i32
    %c0_i32_0 = arith.constant 0 : i32
    %c0_i32_1 = arith.constant 0 : i32
    return %c0_i32, %c0_i32_0 : i32, i32
  }
  func.func @transform_8(%arg0: i32) -> (i32, i32) {
    %c0_i32 = arith.constant 0 : i32
    %c0_i32_0 = arith.constant 0 : i32
    %c0_i32_1 = arith.constant 0 : i32
    return %c0_i32, %c0_i32_0 : i32, i32
  }
  func.func @transform_9(%arg0: i32) -> (i32, i32) {
    %c0_i32 = arith.constant 0 : i32
    %c0_i32_0 = arith.constant 0 : i32
    %c0_i32_1 = arith.constant 0 : i32
    return %c0_i32, %c0_i32_0 : i32, i32
  }
  func.func @transform_10(%arg0: i32) -> (i32, i32) {
    %c0_i32 = arith.constant 0 : i32
    %c0_i32_0 = arith.constant 0 : i32
    %c0_i32_1 = arith.constant 0 : i32
    return %c0_i32, %c0_i32_0 : i32, i32
  }
  func.func @transform_11(%arg0: i32) -> (i32, i32) {
    %c0_i32 = arith.constant 0 : i32
    %c0_i32_0 = arith.constant 0 : i32
    %c0_i32_1 = arith.constant 0 : i32
    return %c0_i32, %c0_i32_0 : i32, i32
  }
  func.func @transform_12(%arg0: i32) -> (i32, i32) {
    %c0_i32 = arith.constant 0 : i32
    %c0_i32_0 = arith.constant 0 : i32
    %c0_i32_1 = arith.constant 0 : i32
    return %c0_i32, %c0_i32_0 : i32, i32
  }
  func.func @transform_13(%arg0: i32) -> (i32, i32) {
    %c0_i32 = arith.constant 0 : i32
    %c0_i32_0 = arith.constant 0 : i32
    %c0_i32_1 = arith.constant 0 : i32
    return %c0_i32, %c0_i32_0 : i32, i32
  }
  func.func @transform_14(%arg0: i32) -> (i32, i32) {
    %c0_i32 = arith.constant 0 : i32
    %c0_i32_0 = arith.constant 0 : i32
    return %arg0, %c0_i32 : i32, i32
  }
}

</mosaic_0001>

<sc_bundles>
// kernel: kernel.11.cloned.1.call-start
scs
__scs_entry_jumppad:
0x0: {  	(pc) =	sbr.rel $0x88, $3  }
0x1: {  	(tag) =	ssettag $0x0;
	lr =	simm.s32 $0x1  }
0x2: {  	[smem:$0x3F8E] =	sst lr;
	_ =	strace $0xD0000000  }
0x3: {  	_ = 	snop  }
0x4: {  	_ = 	snop  }
0x5: {  	_ = 	snop  }
0x6: {  	_ = 	snop  }
0x7: {  	_ = 	snop  }
__scs_overlays_trampoline_lowered:
0x8: {  	[smem:$0x3F9D] =	sst s0  }
0x9: {  	[smem:$0x3F9E] =	sst s1  }
0xa: {  	[smem:$0x3F9F] =	sst s2  }
0xb: {  	[smem:$0x3FA0] =	sst s3  }
0xc: {  	[smem:$0x3FA1] =	sst s4  }
0xd: {  	[smem:$0x3FA2] =	sst s5  }
0xe: {  	[smem:$0x3FA3] =	sst s6  }
0xf: {  	[smem:$0x3FA4] =	sst s7  }
0x10: {  	[smem:$0x3FA5] =	sst s8  }
0x11: {  	[smem:$0x3FA6] =	sst s9;
	s0 =	simm.s32 @!p0 $0x0  }
0x12: {  	s1 =	sld [smem:$0x3F8C];
	s0 =	simm.s32 @p0 $0x1  }
0x13: {  	[smem:$0x3FA7] =	sst s0;
	s0 =	simm.s32 @!p1 $0x0  }
0x14: {  	s2 =	sld [smem:$0x3F8B];
	s0 =	simm.s32 @p1 $0x1  }
0x15: {  	[smem:$0x3FA8] =	sst s0;
	s0 =	simm.s32 @!p2 $0x0  }
0x16: {  	s3 =	sld [smem:$0x3FDB];
	s0 =	simm.s32 @p2 $0x1  }
0x17: {  	s4 =	simm.s32 $0x1BF5;
	[smem:$0x3FAA] =	sst s0  }
0x18: {  	s0 =	sld [smem:$0x3F8D];
	_ =	swait.ge [sflag:s4], $0x0  }
0x19: {  	s7 =	sld [smem:$0x3F8E]  }
0x1a: {  	s8 =	sadd.s32 $0xFFFFE003, lr  }
0x1b: {  	s9 =	sadd.s32 $0xFFFFFEF7, lr;
	s5 =	simm.s32 $0xFFFFFFFF;
	p2 =	slt.u32 s8, $0xFFFFF086  }
0x1c: {  	p1 =	slt.u32 s9, $0xF7A;
	s5 =	simm.s32 @!p2 $0x0  }
0x1d: {  	s5 =	simm.s32 @p1 $0x1;
	p0 =	seq.s32 s7, s2  }
0x1e: {  	s7 =	smul.u32 @!p0 $0xF7A, s2;
	p2 =	seq.s32 @!p0 s5, $0x0  }
0x1f: {  	s9 =	smul.u32 $0xF7A, s1;
	s8 =	simm.s32 @!p0 $0x1BF5;
	p2 =	por !p2, p0  }
0x20: {  	[sflag:s8] =	ssyncset.s32 @!p0 $0xFFFFF086;
	s6 =	sadd.s32 @!p0 s3, s7;
	s7 =	simm.s32 @!p0 $0x108  }
0x21: {  	s3 =	sadd.s32 s3, s9;
	s6 =	sadd.s32 @!p0 $0x88, s6;
	s7 =	simm.s32 @p2 $0x1082  }
0x22: {  	[simem:s7], [sflag:s8] =	dma.local @!p0 [hbm:s6], $0xF7A  }
0x23: {  	s9 =	sor.u32 $0xD0000000, s2;
	s6 =	simm.s32 $0x108;
	_ =	swait.ge @!p0 [sflag:s8], $0x0  }
0x24: {  	s3 =	sadd.s32 $0x88, s3;
	s6 =	simm.s32 @!p1 $0x1082;
	[sflag:s4] =	ssyncset.s32 $0xFFFFF086  }
0x25: {  	[simem:s6], [sflag:s4] =	dma.local [hbm:s3], $0xF7A  }
0x26: {  	[smem:$0x3F8E] =	sst s1;
	(tag) =	ssettag s2;
	_ =	strace s9  }
0x27: {  	s1 =	sld [smem:$0x3F9E]  }
0x28: {  	s2 =	sld [smem:$0x3F9F]  }
0x29: {  	s4 =	sld [smem:$0x3FA1]  }
0x2a: {  	p0 =	seq.s32 s5, $0x0;
	s5 =	sld [smem:$0x3FA2]  }
0x2b: {  	s6 =	sld [smem:$0x3FA3]  }
0x2c: {  	s7 =	sld [smem:$0x3FA4]  }
0x2d: {  	s3 =	simm.s32 $0x108;
	s8 =	sld [smem:$0x3FA5]  }
0x2e: {  	s3 =	simm.s32 @!p0 $0x1082;
	s9 =	sld [smem:$0x3FA6]  }
0x2f: {  	lr =	sadd.s32 s0, s3;
	s0 =	sld [smem:$0x3F9D]  }
0x30: {  	s3 =	sld [smem:$0x3FA0]  }
0x31: {  	[smem:$0x3FA9] =	sst s10  }
0x32: {  	s10 =	sld [smem:$0x3FA7];
	_ =	sdelay $0x3  }
0x33: {  	p0 =	seq.s32 s10, $0x1;
	s10 =	sld [smem:$0x3FA9];
	_ =	sdelay $0x3  }
0x34: {  	[smem:$0x3FA9] =	sst s10  }
0x35: {  	s10 =	sld [smem:$0x3FA8];
	_ =	sdelay $0x3  }
0x36: {  	p1 =	seq.s32 s10, $0x1;
	s10 =	sld [smem:$0x3FA9];
	_ =	sdelay $0x3  }
0x37: {  	[smem:$0x3FA9] =	sst s10  }
0x38: {  	s10 =	sld [smem:$0x3FAA]  }
0x39: {  	_ = 	snop;
	(pc) =	sbr.ind lr, $3  }
0x3a: {  	_ = 	snop  }
0x3b: {  	_ = 	snop  }
0x3c: {  	p2 =	seq.s32 s10, $0x1;
	s10 =	sld [smem:$0x3FA9]  }
0x3d: {  	_ =	shalt  }
0x3e: {  	_ =	shalt  }
0x3f: {  	_ =	shalt  }
0x40: {  	_ =	shalt  }
0x41: {  	_ =	shalt  }
0x42: {  	_ =	shalt  }
0x43: {  	_ =	shalt  }
0x44: {  	_ =	shalt  }
0x45: {  	_ =	shalt  }
0x46: {  	_ =	shalt  }
0x47: {  	_ =	shalt  }
0x48: {  	_ =	shalt  }
0x49: {  	_ =	shalt  }
0x4a: {  	_ =	shalt  }
0x4b: {  	_ =	shalt  }
0x4c: {  	_ =	shalt  }
0x4d: {  	_ =	shalt  }
0x4e: {  	_ =	shalt  }
0x4f: {  	_ =	shalt  }
0x50: {  	_ =	shalt  }
0x51: {  	_ =	shalt  }
0x52: {  	_ =	shalt  }
0x53: {  	_ =	shalt  }
0x54: {  	_ =	shalt  }
0x55: {  	_ =	shalt  }
0x56: {  	_ =	shalt  }
0x57: {  	_ =	shalt  }
0x58: {  	_ =	shalt  }
0x59: {  	_ =	shalt  }
0x5a: {  	_ =	shalt  }
0x5b: {  	_ =	shalt  }
0x5c: {  	_ =	shalt  }
0x5d: {  	_ =	shalt  }
0x5e: {  	_ =	shalt  }
0x5f: {  	_ =	shalt  }
0x60: {  	_ =	shalt  }
0x61: {  	_ =	shalt  }
0x62: {  	_ =	shalt  }
0x63: {  	_ =	shalt  }
0x64: {  	_ =	shalt  }
0x65: {  	_ =	shalt  }
0x66: {  	_ =	shalt  }
0x67: {  	_ =	shalt  }
0x68: {  	_ =	shalt  }
0x69: {  	_ =	shalt  }
0x6a: {  	_ =	shalt  }
0x6b: {  	_ =	shalt  }
0x6c: {  	_ =	shalt  }
0x6d: {  	_ =	shalt  }
0x6e: {  	_ =	shalt  }
0x6f: {  	_ =	shalt  }
0x70: {  	_ =	shalt  }
0x71: {  	_ =	shalt  }
0x72: {  	_ =	shalt  }
0x73: {  	_ =	shalt  }
0x74: {  	_ =	shalt  }
0x75: {  	_ =	shalt  }
0x76: {  	_ =	shalt  }
0x77: {  	_ =	shalt  }
0x78: {  	_ =	shalt  }
0x79: {  	_ =	shalt  }
0x7a: {  	_ =	shalt  }
0x7b: {  	_ =	shalt  }
0x7c: {  	_ =	shalt  }
0x7d: {  	_ =	shalt  }
0x7e: {  	_ =	shalt  }
0x7f: {  	_ =	shalt  }
0x80: {  	_ =	shalt  }
0x81: {  	_ =	shalt  }
0x82: {  	_ =	shalt  }
0x83: {  	_ =	shalt  }
0x84: {  	_ =	shalt  }
0x85: {  	_ =	shalt  }
0x86: {  	_ =	shalt  }
0x87: {  	_ =	shalt  }
.Lfunc_end0:
.L_simem_size_0:
called_computation.1_lowered:
.L_overlay_start_0:
0x88: {  	s2 =	sld [smem:$0x3FD9]  }
0x89: {  	s3 =	sld [smem:$0x3FFE];
	_ =	sdelay $0x1  }
0x8a: {  	s1 =	srdreg.scid  }
0x8b: {  	s0 =	sand.u32 $0x1, s1  }
0x8c: {  	s17 =	sshll.u32 s0, $0xA;
	s2 =	sadd.s32 s3, s2  }
0x8d: {  	s2 =	sadd.s32 s2, s17  }
0x8e: {  	[smem:$0x3FB5] =	sst s2  }
0x8f: {  	_ = 	snop  }
0x90: {  	(tm) =	ssettm $0x1  }
0x91: {  	s18 =	sld [smem:$0x3FFB];
	_ =	sdelay $0x3  }
0x92: {  	_ =	strace s18  }
0x93: {  	s2 =	sld [smem:$0x3FFC];
	_ =	sdelay $0x3  }
0x94: {  	_ =	strace s2  }
0x95: {  	s2 =	sld [smem:$0x3FFD];
	_ =	sdelay $0x3  }
0x96: {  	_ =	strace s2  }
0x97: {  	_ =	strace $0x8FFFFFFF  }
0x98: {  	s19 =	sld [smem:$0x3FDB];
	_ =	sdelay $0x1  }
0x99: {  	s20 =	simm.s32 $_scs_section_size  }
0x9a: {  	s4 =	simm.s32 $_size__tile_overlayer_lowered;
	s5 =	simm.s32 $_tile_overlayer_lowered  }
0x9b: {  	s6 =	simm.s32 $0x1BFF;
	s21 =	sshll.u32 s5, $0x1;
	s3 =	sadd.s32 s20, s19  }
0x9c: {  	s22 =	simm.s32 $0x0;
	s4 =	sshll.u32 s4, $0x1;
	s5 =	sadd.s32 s21, s3  }
0x9d: {  	[timem:s22], [sflag:s6] =	dma.local [hbm:s5], s4  }
0x9e: {  	_ =	swait.ge [sflag:s6], s4  }
0x9f: {  	s4 =	ssub.s32 $0x0, s4;
	[sflag:s6] =	ssyncset.done $0x0  }
0xa0: {  	[sflag:s6] =	ssyncadd.s32 s4;
	_ =	sdelay $0x1  }
0xa1: {  	s23 =	simm.s32 $0x1B8B  }
0xa2: {  	_ =	swait.ge [sflag:s23], $0x1  }
0xa3: {  	[sflag:s23] =	ssyncset.done $0x0  }
0xa4: {  	[sflag:s23] =	ssyncadd.s32 $0xFFFFFFFF  }
0xa5: {  	s4 =	sld [smem:$0x0]  }
0xa6: {  	s5 =	sand.u32 $0xFFFFFFFE, s1  }
0xa7: {  	p0 =	sne.s32 s1, s5  }
0xa8: {  	s5 =	sshll.u32 @p0 s5, $0xE  }
0xa9: {  	s5 =	sadd.s32 @p0 $0x11B8D, s5;
	s6 =	sshll.u32 @p0 s4, $0x11  }
0xaa: {  	s5 =	sor.u32 @p0 s6, s5  }
0xab: {  	[sflag:s5] =	ssyncadd.remote.s32 @p0 $0x1;
	_ =	sdelay $0x1  }
0xac: {  	s5 =	simm.s32 @p0 $0x1B8D  }
0xad: {  	_ =	swait.eq @p0 [sflag:s5], $0x1  }
0xae: {  	[sflag:s5] =	ssyncadd.s32 @p0 $0xFFFFFFFF  }
0xaf: {  	s6 =	sshll.u32 @!p0 s1, $0xE  }
0xb0: {  	s6 =	sor.u32 @!p0 $0x4000, s6;
	s5 =	simm.s32 @!p0 $0x1B8D  }
0xb1: {  	s4 =	sshll.u32 @!p0 s4, $0x11;
	s6 =	sadd.s32 @!p0 $0x11B8D, s6;
	_ =	swait.eq @!p0 [sflag:s5], $0x1  }
0xb2: {  	s4 =	sor.u32 @!p0 s4, s6;
	[sflag:s5] =	ssyncadd.s32 @!p0 $0xFFFFFFFF  }
0xb3: {  	s25 =	simm.s32 $0x1B8E;
	s24 =	sld [smem:$0x3FFE];
	[sflag:s4] =	ssyncadd.remote.s32 @!p0 $0x1  }
0xb4: {  	s26 =	simm.s32 $execute0_lowered;
	[smem:$0x3FD2] =	sst s25  }
0xb5: {  	s5 =	sshll.u32 s26, $0x1;
	_ =	strace $0x80000049;
	[dreg:$0x1] =	wrdreg $0xFFFFFFFF  }
0xb6: {  	s28 =	simm.s32 $_size_execute0_lowered;
	s3 =	sadd.s32 s3, s5;
	[dreg:$0x0] =	wrdreg $0x0  }
0xb7: {  	s5 =	sshll.u32 s28, $0x1;
	[dreg:$0x2] =	wrdreg s3  }
0xb8: {  	[dreg:$0x3] =	wrdreg s5  }
0xb9: {  	[dreg:$0x4] =	wrdreg $0xC0  }
0xba: {  	_ =	task [dreg:s22], $0x5FFFF  }
0xbb: {  	[dreg:$0x1] =	wrdreg $0xFFFFFFFF  }
0xbc: {  	[dreg:$0x0] =	wrdreg $0x60  }
0xbd: {  	[dreg:$0x2] =	wrdreg s24  }
0xbe: {  	[dreg:$0x3] =	wrdreg $0x51000  }
0xbf: {  	[dreg:$0x4] =	wrdreg $0x9  }
0xc0: {  	_ =	task.clear_ibuf [dreg:s22], $0x5FFFF;
	_ =	strace $0x90000049  }
0xc1: {  	s29 =	simm.s32 $0x9;
	_ =	strace $0x8000004B  }
0xc2: {  	_ =	swait.ge [sflag:s29], $0x1  }
0xc3: {  	[sflag:s29] =	ssyncadd.s32 $0xFFFFFFFF  }
0xc4: {  	_ =	strace $0x9000004B  }
0xc5: {  	_ =	sfence  }
0xc6: {  	s30 =	sld [smem:$0x0];
	_ =	sdelay $0x2  }
0xc7: {  	s31 =	sshll.u32 s1, $0xD;
	s1 =	sshrl.u32 s1, $0x2  }
0xc8: {  	s4 =	sand.u32 $0x4000, s31;
	s1 =	sadd.s32 s1, s30  }
0xc9: {  	s0 =	sor.u32 s4, s0;
	s1 =	sshll.u32 s1, $0x11  }
0xca: {  	s0 =	sor.u32 s1, s0  }
0xcb: {  	s0 =	sadd.s32 $0x8F2B, s0  }
0xcc: {  	[sflag:s0] =	ssyncadd.remote.s32 $0x1  }
0xcd: {  	_ =	sfence.sel $0xFFFF  }
0xce: {  	[dreg:$0x0] =	wrdreg $0xFFFFFFFF;
	(pc) =	sbr.abs _section_cstart, $3  }
0xcf: {  	[dreg:$0x1] =	wrdreg $0xFFFFFFFF  }
0xd0: {  	_ =	task.clear_ibuf [dreg:s22], $0x2FFFF;
	_ =	strace $0x9FFFFFFF  }
0xd1: {  	(tm) =	ssettm $0x7FFFFFFF  }
tec
execute0_lowered:
.L_overlay_start_1:
0x0: {  	(tag) =	ssettag $0x1  }
0x1: {  	s0 =	srdreg.scid;
	s20 =	stileid.u32  }
0x2: {  	s6 =	sand.u32 $0x1, s0;
	s7 =	smul.u32 $0x280, s20  }
0x3: {  	s0 =	rddreg [dreg:$0x0];
	s3 =	smul.u32 $0x2800, s20;
	s1 =	sshll.u32 s6, $0x4  }
0x4: {  	s8 =	sadd.s32 $0x9DBA00, s0;
	s2 =	ssub.s32 $0x2, s6;
	s10 =	smul.u32 $0x140000, s6  }
0x5: {  	s9 =	sadd.s32 $0xA04000, s0;
	s6 =	smul.u32 $0x27100, s6;
	s1 =	sor.u32 s20, s1  }
0x6: {  	s16 =	sshrl.u32 s2, $0x1;
	s17 =	sor.u32 $0x50, s7;
	s18 =	sadd.s32 s8, s3  }
0x7: {  	s4 =	sadd.s32 $0xA0, s7;
	s11 =	sadd.s32 $0xF0, s7;
	s26 =	sadd.s32 $0x140, s7  }
0x8: {  	s13 =	sadd.s32 $0x190, s7;
	s5 =	smul.u32 $0x2710, s1;
	s25 =	ssub.s32 s2, s16  }
0x9: {  	[dreg:$0x3] =	wrdreg s18;
	s19 =	sshll.u32 s17, $0x4;
	s22 =	sshll.u32 s4, $0x4  }
0xa: {  	s2 =	sshll.u32 s17, $0x7;
	s12 =	sshll.u32 s11, $0x4;
	s3 =	sshll.u32 s4, $0x7  }
0xb: {  	s4 =	sshll.u32 s11, $0x7;
	s1 =	sshll.u32 s26, $0x4;
	s18 =	sshll.u32 s26, $0x7  }
0xc: {  	s15 =	sshll.u32 s13, $0x4;
	s31 =	sshll.u32 s13, $0x7;
	s17 =	sadd.s32 $0x1E0, s7  }
0xd: {  	s7 =	sadd.s32 $0x230, s7;
	s21 =	sadd.s32 s8, s19;
	s23 =	sadd.s32 s8, s22  }
0xe: {  	s24 =	sadd.s32 s8, s12;
	s14 =	sadd.s32 s8, s1;
	[dreg:$0x4] =	wrdreg s21  }
0xf: {  	s16 =	sadd.s32 s8, s15;
	s19 =	sshll.u32 s17, $0x4;
	[dreg:$0x5] =	wrdreg s23  }
0x10: {  	s1 =	sshll.u32 s17, $0x7;
	s26 =	sadd.s32 s10, s2;
	[dreg:$0x6] =	wrdreg s24  }
0x11: {  	s13 =	sadd.s32 s10, s3;
	s15 =	sadd.s32 s10, s18;
	[dreg:$0x7] =	wrdreg s14  }
0x12: {  	s25 =	smax.u32 s25, $0x1;
	[dreg:$0x8] =	wrdreg s16;
	s21 =	smul.u32 $0x14000, s20  }
0x13: {  	s22 =	sadd.s32 s8, s19;
	s23 =	sshll.u32 s7, $0x4;
	s7 =	sshll.u32 s7, $0x7  }
0x14: {  	s11 =	sshrl.u32 s26, $0x3;
	s14 =	sadd.s32 s10, s4;
	s19 =	sadd.s32 s10, s31  }
0x15: {  	s5 =	sshrl.u32 s5, $0x3;
	[dreg:$0x9] =	wrdreg s22;
	s8 =	sadd.s32 s8, s23  }
0x16: {  	s12 =	sadd.s32 s9, s11;
	s16 =	sshrl.u32 s14, $0x3;
	s14 =	sadd.s32 s10, s1  }
0x17: {  	s22 =	sadd.s32 $0xDC00, s0;
	[dreg:$0xa] =	wrdreg s8;
	s24 =	sadd.s32 s10, s21  }
0x18: {  	[dreg:$0xc] =	wrdreg s12;
	s10 =	sadd.s32 s10, s7;
	s8 =	sshrl.u32 s24, $0x3  }
0x19: {  	s5 =	sadd.s32 s22, s5;
	s21 =	sshrl.u32 s10, $0x3;
	s8 =	sadd.s32 s9, s8  }
0x1a: {  	s24 =	smul.u32 $0x50000, s20;
	[dreg:$0xb] =	wrdreg s8;
	s8 =	sshrl.u32 s13, $0x3  }
0x1b: {  	s13 =	sshrl.u32 s15, $0x3;
	s15 =	sshrl.u32 s14, $0x3;
	s8 =	sadd.s32 s9, s8  }
0x1c: {  	s26 =	sshrl.u32 s24, $0x2;
	s17 =	sadd.s32 s9, s13;
	[dreg:$0xd] =	wrdreg s8  }
0x1d: {  	s15 =	sadd.s32 s9, s15;
	s8 =	sadd.s32 s9, s16;
	[dreg:$0xf] =	wrdreg s17  }
0x1e: {  	s17 =	smul.u32 $0x2710, s20;
	[dreg:$0xe] =	wrdreg s8;
	s8 =	sshrl.u32 s19, $0x3  }
0x1f: {  	s16 =	sadd.s32 s9, s21;
	s19 =	rddreg [dreg:$0x1];
	s14 =	sadd.s32 s9, s8  }
0x20: {  	s6 =	sadd.s32 s17, s6;
	s17 =	simm.s32 $0x0;
	s24 =	sadd.s32 s26, s19  }
0x21: {  	s26 =	sadd.s32 s2, s19;
	s28 =	sadd.s32 s3, s19;
	s29 =	sadd.s32 s4, s19  }
0x22: {  	s30 =	sadd.s32 s18, s19;
	s31 =	sadd.s32 s31, s19;
	s18 =	sadd.s32 s1, s19  }
0x23: {  	s1 =	simm.s32 $0x100;
	s2 =	simm.s32 $0x3;
	s3 =	simm.s32 $0x2900  }
0x24: {  	s4 =	simm.s32 $0x80;
	s8 =	simm.s32 $0x0;
	s23 =	sadd.s32 $0x50, s6  }
0x25: {  	[smem:$0x7FF] =	sst s17;
	s6 =	sshrl.u32 s6, $0x3;
	s9 =	sshrl.u32 s23, $0x3  }
0x26: {  	s21 =	sadd.s32 s6, s22;
	_ =	strace $0x8000004A;
	s23 =	sadd.s32 $0x4D8, s5  }
0x27: {  	s5 =	simm.s32 $0x1;
	s6 =	simm.s32 $0x50;
	s20 =	sadd.s32 s9, s22  }
0x28: {  	s22 =	sadd.s32 $0xA03A00, s0;
	s0 =	sadd.s32 s7, s19;
	s7 =	simm.s32 $0x2  }
.LBB2_1:
0x29: {  	s9 =	rddreg [dreg:$0x3]  }
0x2a: {  	[tilespmem:s1], [sflag:$0x3] =	stream.linear.gather [hbm4b:s9+s17], $0x2800, $0x38;
	[tilespmem:$0x19100] =	vst v63  }
0x2b: {  	_ =	swait.ge [sflag:s2], $0x2800  }
0x2c: {  	[sflag:s2] =	ssyncset.done $0x0  }
0x2d: {  	[sflag:s2] =	ssyncadd.s32 $0xFFFFD800  }
0x2e: {  	[spmem:s24] =	stream.linear.scatter [tilespmem:s1], [sflag:$0x3], $0x2800, $0x38;
	[tilespmem:$0x19100] =	vst v63  }
0x2f: {  	_ =	swait.ge [sflag:s2], $0x2800  }
0x30: {  	[sflag:s2] =	ssyncset.done $0x0  }
0x31: {  	s13 =	rddreg [dreg:$0x4];
	[sflag:s2] =	ssyncadd.s32 $0xFFFFD800  }
0x32: {  	[tilespmem:s1], [sflag:$0x3] =	stream.linear.gather [hbm4b:s13+s17], $0x2800, $0x38;
	[tilespmem:$0x19100] =	vst v63  }
0x33: {  	_ =	swait.ge [sflag:s2], $0x2800  }
0x34: {  	[sflag:s2] =	ssyncset.done $0x0  }
0x35: {  	[sflag:s2] =	ssyncadd.s32 $0xFFFFD800  }
0x36: {  	[spmem:s26] =	stream.linear.scatter [tilespmem:s1], [sflag:$0x3], $0x2800, $0x38;
	[tilespmem:$0x19100] =	vst v63  }
0x37: {  	_ =	swait.ge [sflag:s2], $0x2800  }
0x38: {  	[sflag:s2] =	ssyncset.done $0x0  }
0x39: {  	s10 =	rddreg [dreg:$0x5];
	[sflag:s2] =	ssyncadd.s32 $0xFFFFD800  }
0x3a: {  	[tilespmem:s1], [sflag:$0x3] =	stream.linear.gather [hbm4b:s10+s17], $0x2800, $0x38;
	[tilespmem:$0x19100] =	vst v63  }
0x3b: {  	_ =	swait.ge [sflag:s2], $0x2800  }
0x3c: {  	[sflag:s2] =	ssyncset.done $0x0  }
0x3d: {  	[sflag:s2] =	ssyncadd.s32 $0xFFFFD800  }
0x3e: {  	[spmem:s28] =	stream.linear.scatter [tilespmem:s1], [sflag:$0x3], $0x2800, $0x38;
	[tilespmem:$0x19100] =	vst v63  }
0x3f: {  	_ =	swait.ge [sflag:s2], $0x2800  }
0x40: {  	[sflag:s2] =	ssyncset.done $0x0  }
0x41: {  	s11 =	rddreg [dreg:$0x6];
	[sflag:s2] =	ssyncadd.s32 $0xFFFFD800  }
0x42: {  	[tilespmem:s1], [sflag:$0x3] =	stream.linear.gather [hbm4b:s11+s17], $0x2800, $0x38;
	[tilespmem:$0x19100] =	vst v63  }
0x43: {  	_ =	swait.ge [sflag:s2], $0x2800  }
0x44: {  	[sflag:s2] =	ssyncset.done $0x0  }
0x45: {  	[sflag:s2] =	ssyncadd.s32 $0xFFFFD800  }
0x46: {  	[spmem:s29] =	stream.linear.scatter [tilespmem:s1], [sflag:$0x3], $0x2800, $0x38;
	[tilespmem:$0x19100] =	vst v63  }
0x47: {  	_ =	swait.ge [sflag:s2], $0x2800  }
0x48: {  	[sflag:s2] =	ssyncset.done $0x0  }
0x49: {  	s12 =	rddreg [dreg:$0x7];
	[sflag:s2] =	ssyncadd.s32 $0xFFFFD800  }
0x4a: {  	[tilespmem:s1], [sflag:$0x3] =	stream.linear.gather [hbm4b:s12+s17], $0x2800, $0x38;
	[tilespmem:$0x19100] =	vst v63  }
0x4b: {  	_ =	swait.ge [sflag:s2], $0x2800  }
0x4c: {  	[sflag:s2] =	ssyncset.done $0x0  }
0x4d: {  	[sflag:s2] =	ssyncadd.s32 $0xFFFFD800  }
0x4e: {  	[spmem:s30] =	stream.linear.scatter [tilespmem:s1], [sflag:$0x3], $0x2800, $0x38;
	[tilespmem:$0x19100] =	vst v63  }
0x4f: {  	_ =	swait.ge [sflag:s2], $0x2800  }
0x50: {  	[sflag:s2] =	ssyncset.done $0x0  }
0x51: {  	s13 =	rddreg [dreg:$0x8];
	[sflag:s2] =	ssyncadd.s32 $0xFFFFD800  }
0x52: {  	[tilespmem:s1], [sflag:$0x3] =	stream.linear.gather [hbm4b:s13+s17], $0x2800, $0x38;
	[tilespmem:$0x19100] =	vst v63  }
0x53: {  	_ =	swait.ge [sflag:s2], $0x2800  }
0x54: {  	[sflag:s2] =	ssyncset.done $0x0  }
0x55: {  	[sflag:s2] =	ssyncadd.s32 $0xFFFFD800  }
0x56: {  	[spmem:s31] =	stream.linear.scatter [tilespmem:s1], [sflag:$0x3], $0x2800, $0x38;
	[tilespmem:$0x19100] =	vst v63  }
0x57: {  	_ =	swait.ge [sflag:s2], $0x2800  }
0x58: {  	[sflag:s2] =	ssyncset.done $0x0  }
0x59: {  	s10 =	rddreg [dreg:$0x9];
	[sflag:s2] =	ssyncadd.s32 $0xFFFFD800  }
0x5a: {  	[tilespmem:s1], [sflag:$0x3] =	stream.linear.gather [hbm4b:s10+s17], $0x2800, $0x38;
	[tilespmem:$0x19100] =	vst v63  }
0x5b: {  	_ =	swait.ge [sflag:s2], $0x2800  }
0x5c: {  	[sflag:s2] =	ssyncset.done $0x0  }
0x5d: {  	[sflag:s2] =	ssyncadd.s32 $0xFFFFD800  }
0x5e: {  	[spmem:s18] =	stream.linear.scatter [tilespmem:s1], [sflag:$0x3], $0x2800, $0x38;
	[tilespmem:$0x19100] =	vst v63  }
0x5f: {  	_ =	swait.ge [sflag:s2], $0x2800  }
0x60: {  	[sflag:s2] =	ssyncset.done $0x0  }
0x61: {  	s11 =	rddreg [dreg:$0xa];
	[sflag:s2] =	ssyncadd.s32 $0xFFFFD800  }
0x62: {  	[tilespmem:s1], [sflag:$0x3] =	stream.linear.gather [hbm4b:s11+s17], $0x2800, $0x38;
	[tilespmem:$0x19100] =	vst v63  }
0x63: {  	_ =	swait.ge [sflag:s2], $0x2800  }
0x64: {  	[sflag:s2] =	ssyncset.done $0x0  }
0x65: {  	[sflag:s2] =	ssyncadd.s32 $0xFFFFD800  }
0x66: {  	[spmem:s0] =	stream.linear.scatter [tilespmem:s1], [sflag:$0x3], $0x2800, $0x38;
	[tilespmem:$0x19100] =	vst v63  }
0x67: {  	_ =	swait.ge [sflag:s2], $0x2800  }
0x68: {  	[sflag:s2] =	ssyncset.done $0x0  }
0x69: {  	[sflag:s2] =	ssyncadd.s32 $0xFFFFD800  }
0x6a: {  	[tilespmem:s3], [sflag:$0x3] =	stream.linear.gather [hbm4b:s22+s17], $0x2800, $0x38;
	[tilespmem:$0x19100] =	vst v63  }
0x6b: {  	_ =	swait.ge [sflag:s2], $0x2800  }
0x6c: {  	[sflag:s2] =	ssyncset.done $0x0  }
0x6d: {  	[sflag:s2] =	ssyncadd.s32 $0xFFFFD800  }
0x6e: {  	s12 =	sadd.s32 $0x0, s21;
	[bflag:$0x0] =	sbarrier.arrive $0xFFFF  }
0x6f: {  	[tilespmem:s17], [sflag:$0x1] =	stream.linear.gather [hbm4b:s12+s17], $0x50, $0x38;
	[tilespmem:$0x19100] =	vst v63  }
0x70: {  	s13 =	sadd.s32 $0x0, s20  }
0x71: {  	[tilespmem:s4], [sflag:$0x2] =	stream.linear.gather [hbm4b:s13+s17], $0x50, $0x38;
	[tilespmem:$0x19100] =	vst v63  }
0x72: {  	_ =	swait.ge [sflag:s5], $0x50  }
0x73: {  	[sflag:s5] =	ssyncset.done $0x0  }
0x74: {  	[sflag:s5] =	ssyncadd.s32 $0xFFFFFFB0  }
0x75: {  	[spmem:s19] =	stream.indirect.scatter.add.f32 [tilespmem:s3], [sflag:$0x3], $0x80, s17, s6, $0xb8;
	[tilespmem:$0x19100] =	vst v63  }
0x76: {  	_ =	swait.ge [sflag:s2], $0x2800  }
0x77: {  	[sflag:s2] =	ssyncset.done $0x0  }
0x78: {  	[sflag:s2] =	ssyncadd.s32 $0xFFFFD800  }
0x79: {  	_ =	swait.ge [sflag:s7], $0x50  }
0x7a: {  	[sflag:s7] =	ssyncset.done $0x0  }
0x7b: {  	[sflag:s7] =	ssyncadd.s32 $0xFFFFFFB0  }
0x7c: {  	[spmem:s19] =	stream.indirect.scatter.add.f32 [tilespmem:s3], [sflag:$0x3], $0x80, s4, s6, $0xb8;
	[tilespmem:$0x19100] =	vst v63  }
0x7d: {  	_ =	swait.ge [sflag:s2], $0x2800  }
0x7e: {  	s9 =	simm.s32 $0x14;
	s10 =	simm.s32 $0x28;
	[sflag:s2] =	ssyncset.done $0x0  }
.LBB2_2:
0x7f: {  	s11 =	sadd.s32 s9, s21  }
0x80: {  	[sflag:s2] =	ssyncadd.s32 $0xFFFFD800;
	s12 =	smov.u32 s10;
	s13 =	sadd.s32 $0x14, s10  }
0x81: {  	[tilespmem:s17], [sflag:$0x1] =	stream.linear.gather [hbm4b:s11+s17], $0x50, $0x38;
	[tilespmem:$0x19100] =	vst v63  }
0x82: {  	p0 =	sne.s32 s10, $0x4C4;
	s10 =	sadd.s32 s9, s20;
	s9 =	smov.u32 s12  }
0x83: {  	[tilespmem:s4], [sflag:$0x2] =	stream.linear.gather [hbm4b:s10+s17], $0x50, $0x38;
	[tilespmem:$0x19100] =	vst v63  }
0x84: {  	_ =	swait.ge [sflag:s5], $0x50  }
0x85: {  	[sflag:s5] =	ssyncset.done $0x0  }
0x86: {  	[sflag:s5] =	ssyncadd.s32 $0xFFFFFFB0  }
0x87: {  	[spmem:s19] =	stream.indirect.scatter.add.f32 [tilespmem:s3], [sflag:$0x3], $0x80, s17, s6, $0xb8;
	[tilespmem:$0x19100] =	vst v63  }
0x88: {  	_ =	swait.ge [sflag:s2], $0x2800  }
0x89: {  	[sflag:s2] =	ssyncset.done $0x0  }
0x8a: {  	[sflag:s2] =	ssyncadd.s32 $0xFFFFD800  }
0x8b: {  	_ =	swait.ge [sflag:s7], $0x50  }
.Ltmp0:
0x8c: {  	[sflag:s7] =	ssyncset.done $0x0;
	(pc) =	sbr.rel @p0 .LBB2_2-.Ltmp0, $4  }
0x8d: {  	[sflag:s7] =	ssyncadd.s32 $0xFFFFFFB0  }
0x8e: {  	[spmem:s19] =	stream.indirect.scatter.add.f32 [tilespmem:s3], [sflag:$0x3], $0x80, s4, s6, $0xb8;
	[tilespmem:$0x19100] =	vst v63  }
0x8f: {  	_ =	swait.ge [sflag:s2], $0x2800  }
0x90: {  	s10 =	smov.u32 s13;
	[sflag:s2] =	ssyncset.done $0x0  }
0x91: {  	s10 =	sadd.s32 s9, s21;
	[sflag:s2] =	ssyncadd.s32 $0xFFFFD800  }
0x92: {  	[tilespmem:s17], [sflag:$0x1] =	stream.linear.gather [hbm4b:s10+s17], $0x50, $0x38;
	[tilespmem:$0x19100] =	vst v63  }
0x93: {  	s12 =	sadd.s32 s9, s20  }
0x94: {  	[tilespmem:s4], [sflag:$0x2] =	stream.linear.gather [hbm4b:s12+s17], $0x50, $0x38;
	[tilespmem:$0x19100] =	vst v63  }
0x95: {  	_ =	swait.ge [sflag:s5], $0x50  }
0x96: {  	[sflag:s5] =	ssyncset.done $0x0  }
0x97: {  	[sflag:s5] =	ssyncadd.s32 $0xFFFFFFB0  }
0x98: {  	[spmem:s19] =	stream.indirect.scatter.add.f32 [tilespmem:s3], [sflag:$0x3], $0x80, s17, s6, $0xb8;
	[tilespmem:$0x19100] =	vst v63  }
0x99: {  	_ =	swait.ge [sflag:s2], $0x2800  }
0x9a: {  	[sflag:s2] =	ssyncset.done $0x0  }
0x9b: {  	[sflag:s2] =	ssyncadd.s32 $0xFFFFD800  }
0x9c: {  	_ =	swait.ge [sflag:s7], $0x50  }
0x9d: {  	[sflag:s7] =	ssyncset.done $0x0  }
0x9e: {  	[sflag:s7] =	ssyncadd.s32 $0xFFFFFFB0  }
0x9f: {  	[spmem:s19] =	stream.indirect.scatter.add.f32 [tilespmem:s3], [sflag:$0x3], $0x80, s4, s6, $0xb8;
	[tilespmem:$0x19100] =	vst v63  }
0xa0: {  	_ =	swait.ge [sflag:s2], $0x2800  }
0xa1: {  	[sflag:s2] =	ssyncset.done $0x0  }
0xa2: {  	[sflag:s2] =	ssyncadd.s32 $0xFFFFD800  }
0xa3: {  	[tilespmem:s17], [sflag:$0x3] =	stream.linear.gather [hbm4b:s23+s17], $0x50, $0x38;
	[tilespmem:$0x19100] =	vst v63  }
0xa4: {  	_ =	swait.ge [sflag:s2], $0x50  }
0xa5: {  	[sflag:s2] =	ssyncset.done $0x0  }
0xa6: {  	[sflag:s2] =	ssyncadd.s32 $0xFFFFFFB0  }
0xa7: {  	[spmem:s19] =	stream.indirect.scatter.add.f32 [tilespmem:s3], [sflag:$0x3], $0x80, s17, s6, $0xb8;
	[tilespmem:$0x19100] =	vst v63  }
0xa8: {  	_ =	swait.ge [sflag:s2], $0x2800  }
0xa9: {  	[sflag:s2] =	ssyncset.done $0x0  }
0xaa: {  	[sflag:s2] =	ssyncadd.s32 $0xFFFFD800  }
0xab: {  	[bflag:$0x0] =	sbarrier.arrive $0xFFFF  }
0xac: {  	[tilespmem:s1], [sflag:$0x3] =	stream.linear.gather [spmem:s24], $0x2800, $0x38;
	[tilespmem:$0x19100] =	vst v63  }
0xad: {  	_ =	swait.ge [sflag:s2], $0x2800  }
0xae: {  	[sflag:s2] =	ssyncset.done $0x0  }
0xaf: {  	s13 =	rddreg [dreg:$0xb];
	[sflag:s2] =	ssyncadd.s32 $0xFFFFD800  }
0xb0: {  	[hbm4b:s13+s17] =	stream.linear.scatter [tilespmem:s1], [sflag:$0x3], $0x2800, $0x38;
	[tilespmem:$0x19100] =	vst v63  }
0xb1: {  	_ =	swait.ge [sflag:s2], $0x2800  }
0xb2: {  	[sflag:s2] =	ssyncset.done $0x0  }
0xb3: {  	[sflag:s2] =	ssyncadd.s32 $0xFFFFD800  }
0xb4: {  	[tilespmem:s1], [sflag:$0x3] =	stream.linear.gather [spmem:s26], $0x2800, $0x38;
	[tilespmem:$0x19100] =	vst v63  }
0xb5: {  	_ =	swait.ge [sflag:s2], $0x2800  }
0xb6: {  	[sflag:s2] =	ssyncset.done $0x0  }
0xb7: {  	s10 =	rddreg [dreg:$0xc];
	[sflag:s2] =	ssyncadd.s32 $0xFFFFD800  }
0xb8: {  	[hbm4b:s10+s17] =	stream.linear.scatter [tilespmem:s1], [sflag:$0x3], $0x2800, $0x38;
	[tilespmem:$0x19100] =	vst v63  }
0xb9: {  	_ =	swait.ge [sflag:s2], $0x2800  }
0xba: {  	[sflag:s2] =	ssyncset.done $0x0  }
0xbb: {  	[sflag:s2] =	ssyncadd.s32 $0xFFFFD800  }
0xbc: {  	[tilespmem:s1], [sflag:$0x3] =	stream.linear.gather [spmem:s28], $0x2800, $0x38;
	[tilespmem:$0x19100] =	vst v63  }
0xbd: {  	_ =	swait.ge [sflag:s2], $0x2800  }
0xbe: {  	[sflag:s2] =	ssyncset.done $0x0  }
0xbf: {  	s11 =	rddreg [dreg:$0xd];
	[sflag:s2] =	ssyncadd.s32 $0xFFFFD800  }
0xc0: {  	[hbm4b:s11+s17] =	stream.linear.scatter [tilespmem:s1], [sflag:$0x3], $0x2800, $0x38;
	[tilespmem:$0x19100] =	vst v63  }
0xc1: {  	_ =	swait.ge [sflag:s2], $0x2800  }
0xc2: {  	[sflag:s2] =	ssyncset.done $0x0  }
0xc3: {  	[sflag:s2] =	ssyncadd.s32 $0xFFFFD800  }
0xc4: {  	[tilespmem:s1], [sflag:$0x3] =	stream.linear.gather [spmem:s29], $0x2800, $0x38;
	[tilespmem:$0x19100] =	vst v63  }
0xc5: {  	_ =	swait.ge [sflag:s2], $0x2800  }
0xc6: {  	[sflag:s2] =	ssyncset.done $0x0  }
0xc7: {  	s12 =	rddreg [dreg:$0xe];
	[sflag:s2] =	ssyncadd.s32 $0xFFFFD800  }
0xc8: {  	[hbm4b:s12+s17] =	stream.linear.scatter [tilespmem:s1], [sflag:$0x3], $0x2800, $0x38;
	[tilespmem:$0x19100] =	vst v63  }
0xc9: {  	_ =	swait.ge [sflag:s2], $0x2800  }
0xca: {  	[sflag:s2] =	ssyncset.done $0x0  }
0xcb: {  	[sflag:s2] =	ssyncadd.s32 $0xFFFFD800  }
0xcc: {  	[tilespmem:s1], [sflag:$0x3] =	stream.linear.gather [spmem:s30], $0x2800, $0x38;
	[tilespmem:$0x19100] =	vst v63  }
0xcd: {  	_ =	swait.ge [sflag:s2], $0x2800  }
0xce: {  	[sflag:s2] =	ssyncset.done $0x0  }
0xcf: {  	s13 =	rddreg [dreg:$0xf];
	[sflag:s2] =	ssyncadd.s32 $0xFFFFD800  }
0xd0: {  	[hbm4b:s13+s17] =	stream.linear.scatter [tilespmem:s1], [sflag:$0x3], $0x2800, $0x38;
	[tilespmem:$0x19100] =	vst v63  }
0xd1: {  	_ =	swait.ge [sflag:s2], $0x2800  }
0xd2: {  	[sflag:s2] =	ssyncset.done $0x0  }
0xd3: {  	[sflag:s2] =	ssyncadd.s32 $0xFFFFD800  }
0xd4: {  	[tilespmem:s1], [sflag:$0x3] =	stream.linear.gather [spmem:s31], $0x2800, $0x38;
	[tilespmem:$0x19100] =	vst v63  }
0xd5: {  	_ =	swait.ge [sflag:s2], $0x2800  }
0xd6: {  	[sflag:s2] =	ssyncset.done $0x0  }
0xd7: {  	[sflag:s2] =	ssyncadd.s32 $0xFFFFD800  }
0xd8: {  	[hbm4b:s14+s17] =	stream.linear.scatter [tilespmem:s1], [sflag:$0x3], $0x2800, $0x38;
	[tilespmem:$0x19100] =	vst v63  }
0xd9: {  	_ =	swait.ge [sflag:s2], $0x2800  }
0xda: {  	[sflag:s2] =	ssyncset.done $0x0  }
0xdb: {  	[sflag:s2] =	ssyncadd.s32 $0xFFFFD800  }
0xdc: {  	[tilespmem:s1], [sflag:$0x3] =	stream.linear.gather [spmem:s18], $0x2800, $0x38;
	[tilespmem:$0x19100] =	vst v63  }
0xdd: {  	_ =	swait.ge [sflag:s2], $0x2800  }
0xde: {  	[sflag:s2] =	ssyncset.done $0x0  }
0xdf: {  	[sflag:s2] =	ssyncadd.s32 $0xFFFFD800  }
0xe0: {  	[hbm4b:s15+s17] =	stream.linear.scatter [tilespmem:s1], [sflag:$0x3], $0x2800, $0x38;
	[tilespmem:$0x19100] =	vst v63  }
0xe1: {  	_ =	swait.ge [sflag:s2], $0x2800  }
0xe2: {  	[sflag:s2] =	ssyncset.done $0x0  }
0xe3: {  	[sflag:s2] =	ssyncadd.s32 $0xFFFFD800  }
0xe4: {  	[tilespmem:s1], [sflag:$0x3] =	stream.linear.gather [spmem:s0], $0x2800, $0x38;
	[tilespmem:$0x19100] =	vst v63  }
0xe5: {  	s8 =	sadd.s32 $0x1, s8;
	_ =	swait.ge [sflag:s2], $0x2800  }
0xe6: {  	p0 =	sne.s32 s8, s25;
	[sflag:s2] =	ssyncset.done $0x0  }
.Ltmp1:
0xe7: {  	[sflag:s2] =	ssyncadd.s32 $0xFFFFD800;
	(pc) =	sbr.rel @p0 .LBB2_1-.Ltmp1, $4  }
0xe8: {  	[hbm4b:s16+s17] =	stream.linear.scatter [tilespmem:s1], [sflag:$0x3], $0x2800, $0x38;
	[tilespmem:$0x19100] =	vst v63  }
0xe9: {  	_ =	swait.ge [sflag:s2], $0x2800  }
0xea: {  	[sflag:s2] =	ssyncset.done $0x0  }
0xeb: {  	[sflag:s2] =	ssyncadd.s32 $0xFFFFD800  }
0xec: {  	_ =	sfence.sel $0x180000  }
0xed: {  	[bflag:$0x0] =	sbarrier.arrive $0xFFFF  }
0xee: {  	_ =	strace $0x9000004A  }
0xef: {  	s0 =	stileid.u32;
	[bflag:$0x2] =	sbarrier.arrive $0xFFFF  }
0xf0: {  	p0 =	sne.s32 s0, $0x0;
	s0 =	rddreg [dreg:$0x2]  }
0xf1: {  	s0 =	sadd.s32 @!p0 $0x100000, s0  }
0xf2: {  	[sflag:s0] =	ssyncadd.tile.s32 @!p0 $0x1;
	_ =	shalt  }
.Lfunc_end2:
_tile_overlayer_lowered:
.L_overlay_start_2:
0xf3: {  	(tag) =	ssettag $0x2  }
0xf4: {  	s0 =	rddreg [dreg:$0x0];
	s2 =	stileid.u32  }
0xf5: {  	s1 =	rddreg [dreg:$0x1];
	p0 =	sne.s32 s2, $0x0  }
0xf6: {  	s3 =	rddreg [dreg:$0x2];
	[bflag:$0x3] =	sbarrier.arrive $0xFFFF;
	s2 =	simm.s32 @!p0 $0x1C03  }
0xf7: {  	[timem:s3], [sflag:s2] =	dma.local @!p0 [hbm:s0], s1  }
0xf8: {  	s0 =	simm.s32 @!p0 $0x3  }
0xf9: {  	_ =	swait.ge @!p0 [sflag:s0], s1  }
0xfa: {  	s1 =	ssub.s32 @!p0 $0x0, s1;
	[sflag:s0] =	ssyncset.done @!p0 $0x0  }
0xfb: {  	[sflag:s0] =	ssyncadd.s32 @!p0 s1  }
0xfc: {  	[bflag:$0x3] =	sbarrier.arrive $0xFFFF  }
0xfd: {  	_ =	shalt  }

// kernel: kernel.14.cloned.1.call-start
scs
__scs_entry_jumppad:
0x0: {  	(pc) =	sbr.rel $0x88, $3  }
0x1: {  	(tag) =	ssettag $0x0;
	lr =	simm.s32 $0x1  }
0x2: {  	[smem:$0x3F8E] =	sst lr;
	_ =	strace $0xD0000000  }
0x3: {  	_ = 	snop  }
0x4: {  	_ = 	snop  }
0x5: {  	_ = 	snop  }
0x6: {  	_ = 	snop  }
0x7: {  	_ = 	snop  }
__scs_overlays_trampoline_lowered:
0x8: {  	[smem:$0x3F9D] =	sst s0  }
0x9: {  	[smem:$0x3F9E] =	sst s1  }
0xa: {  	[smem:$0x3F9F] =	sst s2  }
0xb: {  	[smem:$0x3FA0] =	sst s3  }
0xc: {  	[smem:$0x3FA1] =	sst s4  }
0xd: {  	[smem:$0x3FA2] =	sst s5  }
0xe: {  	[smem:$0x3FA3] =	sst s6  }
0xf: {  	[smem:$0x3FA4] =	sst s7  }
0x10: {  	[smem:$0x3FA5] =	sst s8  }
0x11: {  	[smem:$0x3FA6] =	sst s9;
	s0 =	simm.s32 @!p0 $0x0  }
0x12: {  	s1 =	sld [smem:$0x3F8C];
	s0 =	simm.s32 @p0 $0x1  }
0x13: {  	[smem:$0x3FA7] =	sst s0;
	s0 =	simm.s32 @!p1 $0x0  }
0x14: {  	s2 =	sld [smem:$0x3F8B];
	s0 =	simm.s32 @p1 $0x1  }
0x15: {  	[smem:$0x3FA8] =	sst s0;
	s0 =	simm.s32 @!p2 $0x0  }
0x16: {  	s3 =	sld [smem:$0x3FDB];
	s0 =	simm.s32 @p2 $0x1  }
0x17: {  	s4 =	simm.s32 $0x1BF5;
	[smem:$0x3FAA] =	sst s0  }
0x18: {  	s0 =	sld [smem:$0x3F8D];
	_ =	swait.ge [sflag:s4], $0x0  }
0x19: {  	s7 =	sld [smem:$0x3F8E]  }
0x1a: {  	s8 =	sadd.s32 $0xFFFFE003, lr  }
0x1b: {  	s9 =	sadd.s32 $0xFFFFFEF7, lr;
	s5 =	simm.s32 $0xFFFFFFFF;
	p2 =	slt.u32 s8, $0xFFFFF086  }
0x1c: {  	p1 =	slt.u32 s9, $0xF7A;
	s5 =	simm.s32 @!p2 $0x0  }
0x1d: {  	s5 =	simm.s32 @p1 $0x1;
	p0 =	seq.s32 s7, s2  }
0x1e: {  	s7 =	smul.u32 @!p0 $0xF7A, s2;
	p2 =	seq.s32 @!p0 s5, $0x0  }
0x1f: {  	s9 =	smul.u32 $0xF7A, s1;
	s8 =	simm.s32 @!p0 $0x1BF5;
	p2 =	por !p2, p0  }
0x20: {  	[sflag:s8] =	ssyncset.s32 @!p0 $0xFFFFF086;
	s6 =	sadd.s32 @!p0 s3, s7;
	s7 =	simm.s32 @!p0 $0x108  }
0x21: {  	s3 =	sadd.s32 s3, s9;
	s6 =	sadd.s32 @!p0 $0x88, s6;
	s7 =	simm.s32 @p2 $0x1082  }
0x22: {  	[simem:s7], [sflag:s8] =	dma.local @!p0 [hbm:s6], $0xF7A  }
0x23: {  	s9 =	sor.u32 $0xD0000000, s2;
	s6 =	simm.s32 $0x108;
	_ =	swait.ge @!p0 [sflag:s8], $0x0  }
0x24: {  	s3 =	sadd.s32 $0x88, s3;
	s6 =	simm.s32 @!p1 $0x1082;
	[sflag:s4] =	ssyncset.s32 $0xFFFFF086  }
0x25: {  	[simem:s6], [sflag:s4] =	dma.local [hbm:s3], $0xF7A  }
0x26: {  	[smem:$0x3F8E] =	sst s1;
	(tag) =	ssettag s2;
	_ =	strace s9  }
0x27: {  	s1 =	sld [smem:$0x3F9E]  }
0x28: {  	s2 =	sld [smem:$0x3F9F]  }
0x29: {  	s4 =	sld [smem:$0x3FA1]  }
0x2a: {  	p0 =	seq.s32 s5, $0x0;
	s5 =	sld [smem:$0x3FA2]  }
0x2b: {  	s6 =	sld [smem:$0x3FA3]  }
0x2c: {  	s7 =	sld [smem:$0x3FA4]  }
0x2d: {  	s3 =	simm.s32 $0x108;
	s8 =	sld [smem:$0x3FA5]  }
0x2e: {  	s3 =	simm.s32 @!p0 $0x1082;
	s9 =	sld [smem:$0x3FA6]  }
0x2f: {  	lr =	sadd.s32 s0, s3;
	s0 =	sld [smem:$0x3F9D]  }
0x30: {  	s3 =	sld [smem:$0x3FA0]  }
0x31: {  	[smem:$0x3FA9] =	sst s10  }
0x32: {  	s10 =	sld [smem:$0x3FA7];
	_ =	sdelay $0x3  }
0x33: {  	p0 =	seq.s32 s10, $0x1;
	s10 =	sld [smem:$0x3FA9];
	_ =	sdelay $0x3  }
0x34: {  	[smem:$0x3FA9] =	sst s10  }
0x35: {  	s10 =	sld [smem:$0x3FA8];
	_ =	sdelay $0x3  }
0x36: {  	p1 =	seq.s32 s10, $0x1;
	s10 =	sld [smem:$0x3FA9];
	_ =	sdelay $0x3  }
0x37: {  	[smem:$0x3FA9] =	sst s10  }
0x38: {  	s10 =	sld [smem:$0x3FAA]  }
0x39: {  	_ = 	snop;
	(pc) =	sbr.ind lr, $3  }
0x3a: {  	_ = 	snop  }
0x3b: {  	_ = 	snop  }
0x3c: {  	p2 =	seq.s32 s10, $0x1;
	s10 =	sld [smem:$0x3FA9]  }
0x3d: {  	_ =	shalt  }
0x3e: {  	_ =	shalt  }
0x3f: {  	_ =	shalt  }
0x40: {  	_ =	shalt  }
0x41: {  	_ =	shalt  }
0x42: {  	_ =	shalt  }
0x43: {  	_ =	shalt  }
0x44: {  	_ =	shalt  }
0x45: {  	_ =	shalt  }
0x46: {  	_ =	shalt  }
0x47: {  	_ =	shalt  }
0x48: {  	_ =	shalt  }
0x49: {  	_ =	shalt  }
0x4a: {  	_ =	shalt  }
0x4b: {  	_ =	shalt  }
0x4c: {  	_ =	shalt  }
0x4d: {  	_ =	shalt  }
0x4e: {  	_ =	shalt  }
0x4f: {  	_ =	shalt  }
0x50: {  	_ =	shalt  }
0x51: {  	_ =	shalt  }
0x52: {  	_ =	shalt  }
0x53: {  	_ =	shalt  }
0x54: {  	_ =	shalt  }
0x55: {  	_ =	shalt  }
0x56: {  	_ =	shalt  }
0x57: {  	_ =	shalt  }
0x58: {  	_ =	shalt  }
0x59: {  	_ =	shalt  }
0x5a: {  	_ =	shalt  }
0x5b: {  	_ =	shalt  }
0x5c: {  	_ =	shalt  }
0x5d: {  	_ =	shalt  }
0x5e: {  	_ =	shalt  }
0x5f: {  	_ =	shalt  }
0x60: {  	_ =	shalt  }
0x61: {  	_ =	shalt  }
0x62: {  	_ =	shalt  }
0x63: {  	_ =	shalt  }
0x64: {  	_ =	shalt  }
0x65: {  	_ =	shalt  }
0x66: {  	_ =	shalt  }
0x67: {  	_ =	shalt  }
0x68: {  	_ =	shalt  }
0x69: {  	_ =	shalt  }
0x6a: {  	_ =	shalt  }
0x6b: {  	_ =	shalt  }
0x6c: {  	_ =	shalt  }
0x6d: {  	_ =	shalt  }
0x6e: {  	_ =	shalt  }
0x6f: {  	_ =	shalt  }
0x70: {  	_ =	shalt  }
0x71: {  	_ =	shalt  }
0x72: {  	_ =	shalt  }
0x73: {  	_ =	shalt  }
0x74: {  	_ =	shalt  }
0x75: {  	_ =	shalt  }
0x76: {  	_ =	shalt  }
0x77: {  	_ =	shalt  }
0x78: {  	_ =	shalt  }
0x79: {  	_ =	shalt  }
0x7a: {  	_ =	shalt  }
0x7b: {  	_ =	shalt  }
0x7c: {  	_ =	shalt  }
0x7d: {  	_ =	shalt  }
0x7e: {  	_ =	shalt  }
0x7f: {  	_ =	shalt  }
0x80: {  	_ =	shalt  }
0x81: {  	_ =	shalt  }
0x82: {  	_ =	shalt  }
0x83: {  	_ =	shalt  }
0x84: {  	_ =	shalt  }
0x85: {  	_ =	shalt  }
0x86: {  	_ =	shalt  }
0x87: {  	_ =	shalt  }
.Lfunc_end0:
.L_simem_size_0:
called_computation.2_lowered:
.L_overlay_start_0:
0x88: {  	s2 =	sld [smem:$0x3FD9]  }
0x89: {  	s3 =	sld [smem:$0x3FFE];
	_ =	sdelay $0x1  }
0x8a: {  	s1 =	srdreg.scid  }
0x8b: {  	s0 =	sand.u32 $0x1, s1  }
0x8c: {  	s17 =	sshll.u32 s0, $0xA;
	s2 =	sadd.s32 s3, s2  }
0x8d: {  	s2 =	sadd.s32 s2, s17  }
0x8e: {  	[smem:$0x3FB5] =	sst s2  }
0x8f: {  	_ = 	snop  }
0x90: {  	(tm) =	ssettm $0x1  }
0x91: {  	s18 =	sld [smem:$0x3FFB];
	_ =	sdelay $0x3  }
0x92: {  	_ =	strace s18  }
0x93: {  	s2 =	sld [smem:$0x3FFC];
	_ =	sdelay $0x3  }
0x94: {  	_ =	strace s2  }
0x95: {  	s2 =	sld [smem:$0x3FFD];
	_ =	sdelay $0x3  }
0x96: {  	_ =	strace s2  }
0x97: {  	_ =	strace $0x8FFFFFFF  }
0x98: {  	s19 =	sld [smem:$0x3FDB];
	_ =	sdelay $0x1  }
0x99: {  	s20 =	simm.s32 $_scs_section_size  }
0x9a: {  	s4 =	simm.s32 $_size__tile_overlayer_lowered;
	s5 =	simm.s32 $_tile_overlayer_lowered  }
0x9b: {  	s6 =	simm.s32 $0x1BFF;
	s21 =	sshll.u32 s5, $0x1;
	s3 =	sadd.s32 s20, s19  }
0x9c: {  	s22 =	simm.s32 $0x0;
	s4 =	sshll.u32 s4, $0x1;
	s5 =	sadd.s32 s21, s3  }
0x9d: {  	[timem:s22], [sflag:s6] =	dma.local [hbm:s5], s4  }
0x9e: {  	_ =	swait.ge [sflag:s6], s4  }
0x9f: {  	s4 =	ssub.s32 $0x0, s4;
	[sflag:s6] =	ssyncset.done $0x0  }
0xa0: {  	[sflag:s6] =	ssyncadd.s32 s4;
	_ =	sdelay $0x1  }
0xa1: {  	s23 =	simm.s32 $0x1B8B  }
0xa2: {  	_ =	swait.ge [sflag:s23], $0x1  }
0xa3: {  	[sflag:s23] =	ssyncset.done $0x0  }
0xa4: {  	[sflag:s23] =	ssyncadd.s32 $0xFFFFFFFF  }
0xa5: {  	s4 =	sld [smem:$0x0]  }
0xa6: {  	s5 =	sand.u32 $0xFFFFFFFE, s1  }
0xa7: {  	p0 =	sne.s32 s1, s5  }
0xa8: {  	s5 =	sshll.u32 @p0 s5, $0xE  }
0xa9: {  	s5 =	sadd.s32 @p0 $0x11B8D, s5;
	s6 =	sshll.u32 @p0 s4, $0x11  }
0xaa: {  	s5 =	sor.u32 @p0 s6, s5  }
0xab: {  	[sflag:s5] =	ssyncadd.remote.s32 @p0 $0x1;
	_ =	sdelay $0x1  }
0xac: {  	s5 =	simm.s32 @p0 $0x1B8D  }
0xad: {  	_ =	swait.eq @p0 [sflag:s5], $0x1  }
0xae: {  	[sflag:s5] =	ssyncadd.s32 @p0 $0xFFFFFFFF  }
0xaf: {  	s6 =	sshll.u32 @!p0 s1, $0xE  }
0xb0: {  	s6 =	sor.u32 @!p0 $0x4000, s6;
	s5 =	simm.s32 @!p0 $0x1B8D  }
0xb1: {  	s4 =	sshll.u32 @!p0 s4, $0x11;
	s6 =	sadd.s32 @!p0 $0x11B8D, s6;
	_ =	swait.eq @!p0 [sflag:s5], $0x1  }
0xb2: {  	s4 =	sor.u32 @!p0 s4, s6;
	[sflag:s5] =	ssyncadd.s32 @!p0 $0xFFFFFFFF  }
0xb3: {  	s25 =	simm.s32 $0x1B8E;
	s24 =	sld [smem:$0x3FFE];
	[sflag:s4] =	ssyncadd.remote.s32 @!p0 $0x1  }
0xb4: {  	s26 =	simm.s32 $execute0_lowered;
	[smem:$0x3FD2] =	sst s25  }
0xb5: {  	s5 =	sshll.u32 s26, $0x1;
	_ =	strace $0x8000004C;
	[dreg:$0x1] =	wrdreg $0xFFFFFFFF  }
0xb6: {  	s28 =	simm.s32 $_size_execute0_lowered;
	s3 =	sadd.s32 s3, s5;
	[dreg:$0x0] =	wrdreg $0x0  }
0xb7: {  	s5 =	sshll.u32 s28, $0x1;
	[dreg:$0x2] =	wrdreg s3  }
0xb8: {  	[dreg:$0x3] =	wrdreg s5  }
0xb9: {  	[dreg:$0x4] =	wrdreg $0xC0  }
0xba: {  	_ =	task [dreg:s22], $0x5FFFF  }
0xbb: {  	[dreg:$0x1] =	wrdreg $0xFFFFFFFF  }
0xbc: {  	[dreg:$0x0] =	wrdreg $0x60  }
0xbd: {  	[dreg:$0x2] =	wrdreg s24  }
0xbe: {  	[dreg:$0x3] =	wrdreg $0x51000  }
0xbf: {  	[dreg:$0x4] =	wrdreg $0xA  }
0xc0: {  	_ =	task.clear_ibuf [dreg:s22], $0x5FFFF;
	_ =	strace $0x9000004C  }
0xc1: {  	s29 =	simm.s32 $0xA;
	_ =	strace $0x8000004E  }
0xc2: {  	_ =	swait.ge [sflag:s29], $0x1  }
0xc3: {  	[sflag:s29] =	ssyncadd.s32 $0xFFFFFFFF  }
0xc4: {  	_ =	strace $0x9000004E  }
0xc5: {  	_ =	sfence  }
0xc6: {  	s30 =	sld [smem:$0x0];
	_ =	sdelay $0x2  }
0xc7: {  	s31 =	sshll.u32 s1, $0xD;
	s1 =	sshrl.u32 s1, $0x2  }
0xc8: {  	s4 =	sand.u32 $0x4000, s31;
	s1 =	sadd.s32 s1, s30  }
0xc9: {  	s0 =	sor.u32 s4, s0;
	s1 =	sshll.u32 s1, $0x11  }
0xca: {  	s0 =	sor.u32 s1, s0  }
0xcb: {  	s0 =	sadd.s32 $0x8F2B, s0  }
0xcc: {  	[sflag:s0] =	ssyncadd.remote.s32 $0x1  }
0xcd: {  	_ =	sfence.sel $0xFFFF  }
0xce: {  	[dreg:$0x0] =	wrdreg $0xFFFFFFFF;
	(pc) =	sbr.abs _section_cstart, $3  }
0xcf: {  	[dreg:$0x1] =	wrdreg $0xFFFFFFFF  }
0xd0: {  	_ =	task.clear_ibuf [dreg:s22], $0x2FFFF;
	_ =	strace $0x9FFFFFFF  }
0xd1: {  	(tm) =	ssettm $0x7FFFFFFF  }
tec
execute0_lowered:
.L_overlay_start_1:
0x0: {  	(tag) =	ssettag $0x1  }
0x1: {  	s0 =	srdreg.scid  }
0x2: {  	s22 =	stileid.u32;
	s1 =	rddreg [dreg:$0x0];
	s7 =	sand.u32 $0x1, s0  }
0x3: {  	s9 =	sadd.s32 $0xA54000, s1;
	s10 =	sadd.s32 $0x9DBA00, s1;
	s11 =	smul.u32 $0x280, s22  }
0x4: {  	s4 =	sadd.s32 $0x17A00, s1;
	s21 =	smul.u32 $0x2800, s22;
	s1 =	sadd.s32 $0xDC00, s1  }
0x5: {  	s0 =	sshll.u32 s7, $0x4;
	s2 =	ssub.s32 $0x2, s7;
	s12 =	smul.u32 $0x140000, s7  }
0x6: {  	s0 =	sor.u32 s22, s0;
	s3 =	sshrl.u32 s2, $0x1;
	s24 =	sor.u32 $0x50, s11  }
0x7: {  	s26 =	sadd.s32 s10, s21;
	s6 =	sadd.s32 $0xA0, s11;
	s16 =	sadd.s32 $0x140, s11  }
0x8: {  	s21 =	sadd.s32 $0x1E0, s11;
	s0 =	smul.u32 $0x2710, s0;
	s25 =	ssub.s32 s2, s3  }
0x9: {  	[dreg:$0x4] =	wrdreg s26;
	s13 =	sshll.u32 s6, $0x4;
	s2 =	sshll.u32 s24, $0x7  }
0xa: {  	s3 =	sshll.u32 s6, $0x7;
	s17 =	sshll.u32 s16, $0x4;
	s26 =	smul.u32 $0x271000, s7  }
0xb: {  	s7 =	smul.u32 $0x27100, s7;
	s14 =	sadd.s32 s10, s13;
	s18 =	sadd.s32 s10, s17  }
0xc: {  	s17 =	smul.u32 $0x14000, s22;
	s25 =	smax.u32 s25, $0x1;
	s5 =	sadd.s32 $0x26C0, s0  }
0xd: {  	s0 =	sshll.u32 s24, $0x4;
	[dreg:$0x6] =	wrdreg s14;
	s14 =	sadd.s32 $0x190, s11  }
0xe: {  	[dreg:$0x8] =	wrdreg s18;
	s20 =	sshll.u32 s5, $0x4;
	s8 =	sadd.s32 s10, s0  }
0xf: {  	s19 =	sshll.u32 s14, $0x4;
	s0 =	sshll.u32 s21, $0x7;
	s5 =	sshrl.u32 s5, $0x3  }
0x10: {  	s23 =	sadd.s32 s9, s20;
	[dreg:$0x5] =	wrdreg s8;
	s8 =	sadd.s32 $0xF0, s11  }
0x11: {  	s20 =	sadd.s32 s10, s19;
	s11 =	sadd.s32 $0x230, s11;
	s9 =	sadd.s32 s26, s9  }
0x12: {  	[dreg:$0x3] =	wrdreg s23;
	s13 =	sshll.u32 s8, $0x4;
	s6 =	sshll.u32 s8, $0x7  }
0x13: {  	s8 =	sshll.u32 s16, $0x7;
	[dreg:$0x9] =	wrdreg s20;
	s16 =	sshll.u32 s11, $0x4  }
0x14: {  	s20 =	sshll.u32 s14, $0x7;
	s14 =	sadd.s32 s12, s17;
	s11 =	sshll.u32 s11, $0x7  }
0x15: {  	s15 =	sadd.s32 s10, s13;
	s24 =	sadd.s32 s10, s16;
	s13 =	sshrl.u32 s14, $0x3  }
0x16: {  	s16 =	sadd.s32 s12, s3;
	s17 =	sadd.s32 s12, s6;
	[dreg:$0x7] =	wrdreg s15  }
0x17: {  	s18 =	sadd.s32 s12, s8;
	s15 =	sshll.u32 s21, $0x4;
	[dreg:$0xb] =	wrdreg s24  }
0x18: {  	s13 =	sadd.s32 s4, s13;
	s21 =	sshrl.u32 s18, $0x3;
	s24 =	sadd.s32 s12, s0  }
0x19: {  	s18 =	smul.u32 $0x27100, s22;
	s23 =	sadd.s32 s10, s15;
	s15 =	sadd.s32 s12, s2  }
0x1a: {  	[dreg:$0xc] =	wrdreg s13;
	s13 =	sshrl.u32 s17, $0x3;
	s26 =	sshrl.u32 s24, $0x3  }
0x1b: {  	[dreg:$0xa] =	wrdreg s23;
	s10 =	sshrl.u32 s15, $0x3;
	s19 =	sadd.s32 s4, s13  }
0x1c: {  	s23 =	sadd.s32 s12, s20;
	s12 =	sadd.s32 s12, s11;
	s13 =	sadd.s32 s18, s9  }
0x1d: {  	s18 =	simm.s32 $0x0;
	s15 =	smul.u32 $0x50000, s22;
	[dreg:$0xf] =	wrdreg s19  }
0x1e: {  	s9 =	simm.s32 $0x0;
	s10 =	sadd.s32 s4, s10;
	[smem:$0x7FF] =	sst s18  }
0x1f: {  	s19 =	smul.u32 $0x2710, s22;
	s12 =	sshrl.u32 s12, $0x3;
	[dreg:$0xd] =	wrdreg s10  }
0x20: {  	s10 =	sshrl.u32 s16, $0x3;
	s16 =	sadd.s32 s4, s26;
	s17 =	sadd.s32 s4, s12  }
0x21: {  	s26 =	sshrl.u32 s15, $0x2;
	s10 =	sadd.s32 s4, s10;
	s7 =	sadd.s32 s19, s7  }
0x22: {  	s19 =	sadd.s32 s1, s5;
	[dreg:$0xe] =	wrdreg s10;
	s10 =	sadd.s32 s4, s21  }
0x23: {  	s14 =	sadd.s32 $0x50, s7;
	s21 =	rddreg [dreg:$0x1];
	s24 =	sshrl.u32 s7, $0x3  }
0x24: {  	s7 =	simm.s32 $0x50;
	[dreg:$0x10] =	wrdreg s10;
	s10 =	sshrl.u32 s23, $0x3  }
0x25: {  	s5 =	sshrl.u32 s14, $0x3;
	s23 =	sadd.s32 s24, s1;
	s24 =	sadd.s32 s26, s21  }
0x26: {  	s26 =	sadd.s32 s2, s21;
	s28 =	sadd.s32 s3, s21;
	s29 =	sadd.s32 s6, s21  }
0x27: {  	s30 =	sadd.s32 s8, s21;
	s31 =	sadd.s32 s20, s21;
	s20 =	sadd.s32 s0, s21  }
0x28: {  	s0 =	sadd.s32 s11, s21;
	s2 =	simm.s32 $0x100;
	s3 =	simm.s32 $0x3  }
0x29: {  	s6 =	simm.s32 $0x1;
	s8 =	simm.s32 $0x2;
	s10 =	sadd.s32 s4, s10  }
0x2a: {  	s22 =	sadd.s32 s5, s1;
	s1 =	sadd.s32 $0x500, s13;
	[dreg:$0x11] =	wrdreg s10  }
0x2b: {  	s4 =	simm.s32 $0x80;
	s5 =	simm.s32 $0x2900;
	_ =	strace $0x8000004D  }
.LBB2_1:
0x2c: {  	s10 =	rddreg [dreg:$0x4]  }
0x2d: {  	[tilespmem:s2], [sflag:$0x3] =	stream.linear.gather [hbm4b:s10+s18], $0x2800, $0x38;
	[tilespmem:$0x19100] =	vst v63  }
0x2e: {  	_ =	swait.ge [sflag:s3], $0x2800  }
0x2f: {  	[sflag:s3] =	ssyncset.done $0x0  }
0x30: {  	[sflag:s3] =	ssyncadd.s32 $0xFFFFD800  }
0x31: {  	[spmem:s24] =	stream.linear.scatter [tilespmem:s2], [sflag:$0x3], $0x2800, $0x38;
	[tilespmem:$0x19100] =	vst v63  }
0x32: {  	_ =	swait.ge [sflag:s3], $0x2800  }
0x33: {  	[sflag:s3] =	ssyncset.done $0x0  }
0x34: {  	s11 =	rddreg [dreg:$0x5];
	[sflag:s3] =	ssyncadd.s32 $0xFFFFD800  }
0x35: {  	[tilespmem:s2], [sflag:$0x3] =	stream.linear.gather [hbm4b:s11+s18], $0x2800, $0x38;
	[tilespmem:$0x19100] =	vst v63  }
0x36: {  	_ =	swait.ge [sflag:s3], $0x2800  }
0x37: {  	[sflag:s3] =	ssyncset.done $0x0  }
0x38: {  	[sflag:s3] =	ssyncadd.s32 $0xFFFFD800  }
0x39: {  	[spmem:s26] =	stream.linear.scatter [tilespmem:s2], [sflag:$0x3], $0x2800, $0x38;
	[tilespmem:$0x19100] =	vst v63  }
0x3a: {  	_ =	swait.ge [sflag:s3], $0x2800  }
0x3b: {  	[sflag:s3] =	ssyncset.done $0x0  }
0x3c: {  	s12 =	rddreg [dreg:$0x6];
	[sflag:s3] =	ssyncadd.s32 $0xFFFFD800  }
0x3d: {  	[tilespmem:s2], [sflag:$0x3] =	stream.linear.gather [hbm4b:s12+s18], $0x2800, $0x38;
	[tilespmem:$0x19100] =	vst v63  }
0x3e: {  	_ =	swait.ge [sflag:s3], $0x2800  }
0x3f: {  	[sflag:s3] =	ssyncset.done $0x0  }
0x40: {  	[sflag:s3] =	ssyncadd.s32 $0xFFFFD800  }
0x41: {  	[spmem:s28] =	stream.linear.scatter [tilespmem:s2], [sflag:$0x3], $0x2800, $0x38;
	[tilespmem:$0x19100] =	vst v63  }
0x42: {  	_ =	swait.ge [sflag:s3], $0x2800  }
0x43: {  	[sflag:s3] =	ssyncset.done $0x0  }
0x44: {  	s13 =	rddreg [dreg:$0x7];
	[sflag:s3] =	ssyncadd.s32 $0xFFFFD800  }
0x45: {  	[tilespmem:s2], [sflag:$0x3] =	stream.linear.gather [hbm4b:s13+s18], $0x2800, $0x38;
	[tilespmem:$0x19100] =	vst v63  }
0x46: {  	_ =	swait.ge [sflag:s3], $0x2800  }
0x47: {  	[sflag:s3] =	ssyncset.done $0x0  }
0x48: {  	[sflag:s3] =	ssyncadd.s32 $0xFFFFD800  }
0x49: {  	[spmem:s29] =	stream.linear.scatter [tilespmem:s2], [sflag:$0x3], $0x2800, $0x38;
	[tilespmem:$0x19100] =	vst v63  }
0x4a: {  	_ =	swait.ge [sflag:s3], $0x2800  }
0x4b: {  	[sflag:s3] =	ssyncset.done $0x0  }
0x4c: {  	s14 =	rddreg [dreg:$0x8];
	[sflag:s3] =	ssyncadd.s32 $0xFFFFD800  }
0x4d: {  	[tilespmem:s2], [sflag:$0x3] =	stream.linear.gather [hbm4b:s14+s18], $0x2800, $0x38;
	[tilespmem:$0x19100] =	vst v63  }
0x4e: {  	_ =	swait.ge [sflag:s3], $0x2800  }
0x4f: {  	[sflag:s3] =	ssyncset.done $0x0  }
0x50: {  	[sflag:s3] =	ssyncadd.s32 $0xFFFFD800  }
0x51: {  	[spmem:s30] =	stream.linear.scatter [tilespmem:s2], [sflag:$0x3], $0x2800, $0x38;
	[tilespmem:$0x19100] =	vst v63  }
0x52: {  	_ =	swait.ge [sflag:s3], $0x2800  }
0x53: {  	[sflag:s3] =	ssyncset.done $0x0  }
0x54: {  	s15 =	rddreg [dreg:$0x9];
	[sflag:s3] =	ssyncadd.s32 $0xFFFFD800  }
0x55: {  	[tilespmem:s2], [sflag:$0x3] =	stream.linear.gather [hbm4b:s15+s18], $0x2800, $0x38;
	[tilespmem:$0x19100] =	vst v63  }
0x56: {  	_ =	swait.ge [sflag:s3], $0x2800  }
0x57: {  	[sflag:s3] =	ssyncset.done $0x0  }
0x58: {  	[sflag:s3] =	ssyncadd.s32 $0xFFFFD800  }
0x59: {  	[spmem:s31] =	stream.linear.scatter [tilespmem:s2], [sflag:$0x3], $0x2800, $0x38;
	[tilespmem:$0x19100] =	vst v63  }
0x5a: {  	_ =	swait.ge [sflag:s3], $0x2800  }
0x5b: {  	[sflag:s3] =	ssyncset.done $0x0  }
0x5c: {  	s11 =	rddreg [dreg:$0xa];
	[sflag:s3] =	ssyncadd.s32 $0xFFFFD800  }
0x5d: {  	[tilespmem:s2], [sflag:$0x3] =	stream.linear.gather [hbm4b:s11+s18], $0x2800, $0x38;
	[tilespmem:$0x19100] =	vst v63  }
0x5e: {  	_ =	swait.ge [sflag:s3], $0x2800  }
0x5f: {  	[sflag:s3] =	ssyncset.done $0x0  }
0x60: {  	[sflag:s3] =	ssyncadd.s32 $0xFFFFD800  }
0x61: {  	[spmem:s20] =	stream.linear.scatter [tilespmem:s2], [sflag:$0x3], $0x2800, $0x38;
	[tilespmem:$0x19100] =	vst v63  }
0x62: {  	_ =	swait.ge [sflag:s3], $0x2800  }
0x63: {  	[sflag:s3] =	ssyncset.done $0x0  }
0x64: {  	s12 =	rddreg [dreg:$0xb];
	[sflag:s3] =	ssyncadd.s32 $0xFFFFD800  }
0x65: {  	[tilespmem:s2], [sflag:$0x3] =	stream.linear.gather [hbm4b:s12+s18], $0x2800, $0x38;
	[tilespmem:$0x19100] =	vst v63  }
0x66: {  	_ =	swait.ge [sflag:s3], $0x2800  }
0x67: {  	[sflag:s3] =	ssyncset.done $0x0  }
0x68: {  	[sflag:s3] =	ssyncadd.s32 $0xFFFFD800  }
0x69: {  	[spmem:s0] =	stream.linear.scatter [tilespmem:s2], [sflag:$0x3], $0x2800, $0x38;
	[tilespmem:$0x19100] =	vst v63  }
0x6a: {  	_ =	swait.ge [sflag:s3], $0x2800  }
0x6b: {  	[sflag:s3] =	ssyncset.done $0x0  }
0x6c: {  	[sflag:s3] =	ssyncadd.s32 $0xFFFFD800  }
0x6d: {  	s13 =	sadd.s32 $0x0, s23;
	[bflag:$0x0] =	sbarrier.arrive $0xFFFF  }
0x6e: {  	[tilespmem:s18], [sflag:$0x3] =	stream.linear.gather [hbm4b:s13+s18], $0x50, $0x38;
	[tilespmem:$0x19100] =	vst v63  }
0x6f: {  	_ =	swait.ge [sflag:s3], $0x50  }
0x70: {  	[sflag:s3] =	ssyncset.done $0x0  }
0x71: {  	s14 =	sadd.s32 $0xFFFFFB00, s1;
	[sflag:s3] =	ssyncadd.s32 $0xFFFFFFB0  }
0x72: {  	[tilespmem:s2], [sflag:$0x1] =	stream.linear.gather [hbm4b:s14+s18], $0x2800, $0x38;
	[tilespmem:$0x19100] =	vst v63  }
0x73: {  	s15 =	sadd.s32 $0x0, s22  }
0x74: {  	[tilespmem:s4], [sflag:$0x3] =	stream.linear.gather [hbm4b:s15+s18], $0x50, $0x38;
	[tilespmem:$0x19100] =	vst v63  }
0x75: {  	_ =	swait.ge [sflag:s3], $0x50  }
0x76: {  	[sflag:s3] =	ssyncset.done $0x0  }
0x77: {  	[sflag:s3] =	ssyncadd.s32 $0xFFFFFFB0  }
0x78: {  	[tilespmem:s5], [sflag:$0x2] =	stream.linear.gather [hbm4b:s1+s18], $0x2800, $0x38;
	[tilespmem:$0x19100] =	vst v63  }
0x79: {  	_ =	swait.ge [sflag:s6], $0x2800  }
0x7a: {  	[sflag:s6] =	ssyncset.done $0x0  }
0x7b: {  	[sflag:s6] =	ssyncadd.s32 $0xFFFFD800  }
0x7c: {  	[spmem:s21] =	stream.indirect.scatter.add.f32 [tilespmem:s2], [sflag:$0x3], $0x80, s18, s7, $0xb8;
	[tilespmem:$0x19100] =	vst v63  }
0x7d: {  	_ =	swait.ge [sflag:s3], $0x2800  }
0x7e: {  	[sflag:s3] =	ssyncset.done $0x0  }
0x7f: {  	[sflag:s3] =	ssyncadd.s32 $0xFFFFD800  }
0x80: {  	_ =	swait.ge [sflag:s8], $0x2800  }
0x81: {  	[sflag:s8] =	ssyncset.done $0x0  }
0x82: {  	[sflag:s8] =	ssyncadd.s32 $0xFFFFD800  }
0x83: {  	[spmem:s21] =	stream.indirect.scatter.add.f32 [tilespmem:s5], [sflag:$0x3], $0x80, s4, s7, $0xb8;
	[tilespmem:$0x19100] =	vst v63  }
0x84: {  	s10 =	sadd.s32 $0xA00, s1;
	_ =	swait.ge [sflag:s3], $0x2800  }
0x85: {  	s11 =	simm.s32 $0x14;
	s12 =	simm.s32 $0x28;
	[sflag:s3] =	ssyncset.done $0x0  }
.LBB2_2:
0x86: {  	s13 =	sadd.s32 s11, s23  }
0x87: {  	[sflag:s3] =	ssyncadd.s32 $0xFFFFD800;
	s14 =	smov.u32 s12;
	s15 =	sadd.s32 $0x14, s12  }
0x88: {  	[tilespmem:s18], [sflag:$0x3] =	stream.linear.gather [hbm4b:s13+s18], $0x50, $0x38;
	[tilespmem:$0x19100] =	vst v63  }
0x89: {  	p0 =	sne.s32 s12, $0x4C4;
	_ =	swait.ge [sflag:s3], $0x50  }
0x8a: {  	[sflag:s3] =	ssyncset.done $0x0  }
0x8b: {  	s12 =	sadd.s32 $0xFFFFFB00, s10;
	[sflag:s3] =	ssyncadd.s32 $0xFFFFFFB0  }
0x8c: {  	[tilespmem:s2], [sflag:$0x1] =	stream.linear.gather [hbm4b:s12+s18], $0x2800, $0x38;
	[tilespmem:$0x19100] =	vst v63  }
0x8d: {  	s12 =	sadd.s32 s11, s22;
	s11 =	smov.u32 s14  }
0x8e: {  	[tilespmem:s4], [sflag:$0x3] =	stream.linear.gather [hbm4b:s12+s18], $0x50, $0x38;
	[tilespmem:$0x19100] =	vst v63  }
0x8f: {  	_ =	swait.ge [sflag:s3], $0x50  }
0x90: {  	[sflag:s3] =	ssyncset.done $0x0  }
0x91: {  	[sflag:s3] =	ssyncadd.s32 $0xFFFFFFB0  }
0x92: {  	[tilespmem:s5], [sflag:$0x2] =	stream.linear.gather [hbm4b:s10+s18], $0x2800, $0x38;
	[tilespmem:$0x19100] =	vst v63  }
0x93: {  	_ =	swait.ge [sflag:s6], $0x2800  }
0x94: {  	[sflag:s6] =	ssyncset.done $0x0  }
0x95: {  	[sflag:s6] =	ssyncadd.s32 $0xFFFFD800  }
0x96: {  	[spmem:s21] =	stream.indirect.scatter.add.f32 [tilespmem:s2], [sflag:$0x3], $0x80, s18, s7, $0xb8;
	[tilespmem:$0x19100] =	vst v63  }
0x97: {  	_ =	swait.ge [sflag:s3], $0x2800  }
0x98: {  	[sflag:s3] =	ssyncset.done $0x0  }
0x99: {  	[sflag:s3] =	ssyncadd.s32 $0xFFFFD800  }
0x9a: {  	_ =	swait.ge [sflag:s8], $0x2800  }
.Ltmp0:
0x9b: {  	[sflag:s8] =	ssyncset.done $0x0;
	(pc) =	sbr.rel @p0 .LBB2_2-.Ltmp0, $4  }
0x9c: {  	[sflag:s8] =	ssyncadd.s32 $0xFFFFD800  }
0x9d: {  	[spmem:s21] =	stream.indirect.scatter.add.f32 [tilespmem:s5], [sflag:$0x3], $0x80, s4, s7, $0xb8;
	[tilespmem:$0x19100] =	vst v63  }
0x9e: {  	_ =	swait.ge [sflag:s3], $0x2800  }
0x9f: {  	s12 =	smov.u32 s15;
	s10 =	sadd.s32 $0xA00, s10;
	[sflag:s3] =	ssyncset.done $0x0  }
0xa0: {  	s12 =	sadd.s32 s11, s23;
	[sflag:s3] =	ssyncadd.s32 $0xFFFFD800  }
0xa1: {  	[tilespmem:s18], [sflag:$0x3] =	stream.linear.gather [hbm4b:s12+s18], $0x50, $0x38;
	[tilespmem:$0x19100] =	vst v63  }
0xa2: {  	_ =	swait.ge [sflag:s3], $0x50  }
0xa3: {  	[sflag:s3] =	ssyncset.done $0x0  }
0xa4: {  	s15 =	sadd.s32 $0xFFFFFB00, s10;
	[sflag:s3] =	ssyncadd.s32 $0xFFFFFFB0  }
0xa5: {  	[tilespmem:s2], [sflag:$0x1] =	stream.linear.gather [hbm4b:s15+s18], $0x2800, $0x38;
	[tilespmem:$0x19100] =	vst v63  }
0xa6: {  	s13 =	sadd.s32 s11, s22  }
0xa7: {  	[tilespmem:s4], [sflag:$0x3] =	stream.linear.gather [hbm4b:s13+s18], $0x50, $0x38;
	[tilespmem:$0x19100] =	vst v63  }
0xa8: {  	_ =	swait.ge [sflag:s3], $0x50  }
0xa9: {  	[sflag:s3] =	ssyncset.done $0x0  }
0xaa: {  	[sflag:s3] =	ssyncadd.s32 $0xFFFFFFB0  }
0xab: {  	[tilespmem:s5], [sflag:$0x2] =	stream.linear.gather [hbm4b:s10+s18], $0x2800, $0x38;
	[tilespmem:$0x19100] =	vst v63  }
0xac: {  	_ =	swait.ge [sflag:s6], $0x2800  }
0xad: {  	[sflag:s6] =	ssyncset.done $0x0  }
0xae: {  	[sflag:s6] =	ssyncadd.s32 $0xFFFFD800  }
0xaf: {  	[spmem:s21] =	stream.indirect.scatter.add.f32 [tilespmem:s2], [sflag:$0x3], $0x80, s18, s7, $0xb8;
	[tilespmem:$0x19100] =	vst v63  }
0xb0: {  	_ =	swait.ge [sflag:s3], $0x2800  }
0xb1: {  	[sflag:s3] =	ssyncset.done $0x0  }
0xb2: {  	[sflag:s3] =	ssyncadd.s32 $0xFFFFD800  }
0xb3: {  	_ =	swait.ge [sflag:s8], $0x2800  }
0xb4: {  	[sflag:s8] =	ssyncset.done $0x0  }
0xb5: {  	[sflag:s8] =	ssyncadd.s32 $0xFFFFD800  }
0xb6: {  	[spmem:s21] =	stream.indirect.scatter.add.f32 [tilespmem:s5], [sflag:$0x3], $0x80, s4, s7, $0xb8;
	[tilespmem:$0x19100] =	vst v63  }
0xb7: {  	_ =	swait.ge [sflag:s3], $0x2800  }
0xb8: {  	[sflag:s3] =	ssyncset.done $0x0  }
0xb9: {  	[sflag:s3] =	ssyncadd.s32 $0xFFFFD800  }
0xba: {  	[tilespmem:s18], [sflag:$0x3] =	stream.linear.gather [hbm4b:s19+s18], $0x50, $0x38;
	[tilespmem:$0x19100] =	vst v63  }
0xbb: {  	_ =	swait.ge [sflag:s3], $0x50  }
0xbc: {  	[sflag:s3] =	ssyncset.done $0x0  }
0xbd: {  	s14 =	rddreg [dreg:$0x3];
	[sflag:s3] =	ssyncadd.s32 $0xFFFFFFB0  }
0xbe: {  	[tilespmem:s2], [sflag:$0x1] =	stream.linear.gather [hbm4b:s14+s18], $0x2800, $0x38;
	[tilespmem:$0x19100] =	vst v63  }
0xbf: {  	_ =	swait.ge [sflag:s6], $0x2800  }
0xc0: {  	[sflag:s6] =	ssyncset.done $0x0  }
0xc1: {  	[sflag:s6] =	ssyncadd.s32 $0xFFFFD800  }
0xc2: {  	[spmem:s21] =	stream.indirect.scatter.add.f32 [tilespmem:s2], [sflag:$0x3], $0x80, s18, s7, $0xb8;
	[tilespmem:$0x19100] =	vst v63  }
0xc3: {  	_ =	swait.ge [sflag:s3], $0x2800  }
0xc4: {  	[sflag:s3] =	ssyncset.done $0x0  }
0xc5: {  	[sflag:s3] =	ssyncadd.s32 $0xFFFFD800  }
0xc6: {  	[bflag:$0x0] =	sbarrier.arrive $0xFFFF  }
0xc7: {  	[tilespmem:s2], [sflag:$0x3] =	stream.linear.gather [spmem:s24], $0x2800, $0x38;
	[tilespmem:$0x19100] =	vst v63  }
0xc8: {  	_ =	swait.ge [sflag:s3], $0x2800  }
0xc9: {  	[sflag:s3] =	ssyncset.done $0x0  }
0xca: {  	s15 =	rddreg [dreg:$0xc];
	[sflag:s3] =	ssyncadd.s32 $0xFFFFD800  }
0xcb: {  	[hbm4b:s15+s18] =	stream.linear.scatter [tilespmem:s2], [sflag:$0x3], $0x2800, $0x38;
	[tilespmem:$0x19100] =	vst v63  }
0xcc: {  	_ =	swait.ge [sflag:s3], $0x2800  }
0xcd: {  	[sflag:s3] =	ssyncset.done $0x0  }
0xce: {  	[sflag:s3] =	ssyncadd.s32 $0xFFFFD800  }
0xcf: {  	[tilespmem:s2], [sflag:$0x3] =	stream.linear.gather [spmem:s26], $0x2800, $0x38;
	[tilespmem:$0x19100] =	vst v63  }
0xd0: {  	_ =	swait.ge [sflag:s3], $0x2800  }
0xd1: {  	[sflag:s3] =	ssyncset.done $0x0  }
0xd2: {  	s11 =	rddreg [dreg:$0xd];
	[sflag:s3] =	ssyncadd.s32 $0xFFFFD800  }
0xd3: {  	[hbm4b:s11+s18] =	stream.linear.scatter [tilespmem:s2], [sflag:$0x3], $0x2800, $0x38;
	[tilespmem:$0x19100] =	vst v63  }
0xd4: {  	_ =	swait.ge [sflag:s3], $0x2800  }
0xd5: {  	[sflag:s3] =	ssyncset.done $0x0  }
0xd6: {  	[sflag:s3] =	ssyncadd.s32 $0xFFFFD800  }
0xd7: {  	[tilespmem:s2], [sflag:$0x3] =	stream.linear.gather [spmem:s28], $0x2800, $0x38;
	[tilespmem:$0x19100] =	vst v63  }
0xd8: {  	_ =	swait.ge [sflag:s3], $0x2800  }
0xd9: {  	[sflag:s3] =	ssyncset.done $0x0  }
0xda: {  	s12 =	rddreg [dreg:$0xe];
	[sflag:s3] =	ssyncadd.s32 $0xFFFFD800  }
0xdb: {  	[hbm4b:s12+s18] =	stream.linear.scatter [tilespmem:s2], [sflag:$0x3], $0x2800, $0x38;
	[tilespmem:$0x19100] =	vst v63  }
0xdc: {  	_ =	swait.ge [sflag:s3], $0x2800  }
0xdd: {  	[sflag:s3] =	ssyncset.done $0x0  }
0xde: {  	[sflag:s3] =	ssyncadd.s32 $0xFFFFD800  }
0xdf: {  	[tilespmem:s2], [sflag:$0x3] =	stream.linear.gather [spmem:s29], $0x2800, $0x38;
	[tilespmem:$0x19100] =	vst v63  }
0xe0: {  	_ =	swait.ge [sflag:s3], $0x2800  }
0xe1: {  	[sflag:s3] =	ssyncset.done $0x0  }
0xe2: {  	s13 =	rddreg [dreg:$0xf];
	[sflag:s3] =	ssyncadd.s32 $0xFFFFD800  }
0xe3: {  	[hbm4b:s13+s18] =	stream.linear.scatter [tilespmem:s2], [sflag:$0x3], $0x2800, $0x38;
	[tilespmem:$0x19100] =	vst v63  }
0xe4: {  	_ =	swait.ge [sflag:s3], $0x2800  }
0xe5: {  	[sflag:s3] =	ssyncset.done $0x0  }
0xe6: {  	[sflag:s3] =	ssyncadd.s32 $0xFFFFD800  }
0xe7: {  	[tilespmem:s2], [sflag:$0x3] =	stream.linear.gather [spmem:s30], $0x2800, $0x38;
	[tilespmem:$0x19100] =	vst v63  }
0xe8: {  	_ =	swait.ge [sflag:s3], $0x2800  }
0xe9: {  	[sflag:s3] =	ssyncset.done $0x0  }
0xea: {  	s14 =	rddreg [dreg:$0x10];
	[sflag:s3] =	ssyncadd.s32 $0xFFFFD800  }
0xeb: {  	[hbm4b:s14+s18] =	stream.linear.scatter [tilespmem:s2], [sflag:$0x3], $0x2800, $0x38;
	[tilespmem:$0x19100] =	vst v63  }
0xec: {  	_ =	swait.ge [sflag:s3], $0x2800  }
0xed: {  	[sflag:s3] =	ssyncset.done $0x0  }
0xee: {  	[sflag:s3] =	ssyncadd.s32 $0xFFFFD800  }
0xef: {  	[tilespmem:s2], [sflag:$0x3] =	stream.linear.gather [spmem:s31], $0x2800, $0x38;
	[tilespmem:$0x19100] =	vst v63  }
0xf0: {  	_ =	swait.ge [sflag:s3], $0x2800  }
0xf1: {  	[sflag:s3] =	ssyncset.done $0x0  }
0xf2: {  	s15 =	rddreg [dreg:$0x11];
	[sflag:s3] =	ssyncadd.s32 $0xFFFFD800  }
0xf3: {  	[hbm4b:s15+s18] =	stream.linear.scatter [tilespmem:s2], [sflag:$0x3], $0x2800, $0x38;
	[tilespmem:$0x19100] =	vst v63  }
0xf4: {  	_ =	swait.ge [sflag:s3], $0x2800  }
0xf5: {  	[sflag:s3] =	ssyncset.done $0x0  }
0xf6: {  	[sflag:s3] =	ssyncadd.s32 $0xFFFFD800  }
0xf7: {  	[tilespmem:s2], [sflag:$0x3] =	stream.linear.gather [spmem:s20], $0x2800, $0x38;
	[tilespmem:$0x19100] =	vst v63  }
0xf8: {  	_ =	swait.ge [sflag:s3], $0x2800  }
0xf9: {  	[sflag:s3] =	ssyncset.done $0x0  }
0xfa: {  	[sflag:s3] =	ssyncadd.s32 $0xFFFFD800  }
0xfb: {  	[hbm4b:s16+s18] =	stream.linear.scatter [tilespmem:s2], [sflag:$0x3], $0x2800, $0x38;
	[tilespmem:$0x19100] =	vst v63  }
0xfc: {  	_ =	swait.ge [sflag:s3], $0x2800  }
0xfd: {  	[sflag:s3] =	ssyncset.done $0x0  }
0xfe: {  	[sflag:s3] =	ssyncadd.s32 $0xFFFFD800  }
0xff: {  	[tilespmem:s2], [sflag:$0x3] =	stream.linear.gather [spmem:s0], $0x2800, $0x38;
	[tilespmem:$0x19100] =	vst v63  }
0x100: {  	s9 =	sadd.s32 $0x1, s9;
	_ =	swait.ge [sflag:s3], $0x2800  }
0x101: {  	p0 =	sne.s32 s9, s25;
	[sflag:s3] =	ssyncset.done $0x0  }
.Ltmp1:
0x102: {  	[sflag:s3] =	ssyncadd.s32 $0xFFFFD800;
	(pc) =	sbr.rel @p0 .LBB2_1-.Ltmp1, $4  }
0x103: {  	[hbm4b:s17+s18] =	stream.linear.scatter [tilespmem:s2], [sflag:$0x3], $0x2800, $0x38;
	[tilespmem:$0x19100] =	vst v63  }
0x104: {  	_ =	swait.ge [sflag:s3], $0x2800  }
0x105: {  	[sflag:s3] =	ssyncset.done $0x0  }
0x106: {  	[sflag:s3] =	ssyncadd.s32 $0xFFFFD800  }
0x107: {  	_ =	sfence.sel $0x180000  }
0x108: {  	[bflag:$0x0] =	sbarrier.arrive $0xFFFF  }
0x109: {  	_ =	strace $0x9000004D  }
0x10a: {  	s0 =	stileid.u32;
	[bflag:$0x2] =	sbarrier.arrive $0xFFFF  }
0x10b: {  	p0 =	sne.s32 s0, $0x0;
	s0 =	rddreg [dreg:$0x2]  }
0x10c: {  	s0 =	sadd.s32 @!p0 $0x100000, s0  }
0x10d: {  	[sflag:s0] =	ssyncadd.tile.s32 @!p0 $0x1;
	_ =	shalt  }
.Lfunc_end2:
_tile_overlayer_lowered:
.L_overlay_start_2:
0x10e: {  	(tag) =	ssettag $0x2  }
0x10f: {  	s0 =	rddreg [dreg:$0x0];
	s2 =	stileid.u32  }
0x110: {  	s1 =	rddreg [dreg:$0x1];
	p0 =	sne.s32 s2, $0x0  }
0x111: {  	s3 =	rddreg [dreg:$0x2];
	[bflag:$0x3] =	sbarrier.arrive $0xFFFF;
	s2 =	simm.s32 @!p0 $0x1C03  }
0x112: {  	[timem:s3], [sflag:s2] =	dma.local @!p0 [hbm:s0], s1  }
0x113: {  	s0 =	simm.s32 @!p0 $0x3  }
0x114: {  	_ =	swait.ge @!p0 [sflag:s0], s1  }
0x115: {  	s1 =	ssub.s32 @!p0 $0x0, s1;
	[sflag:s0] =	ssyncset.done @!p0 $0x0  }
0x116: {  	[sflag:s0] =	ssyncadd.s32 @!p0 s1  }
0x117: {  	[bflag:$0x3] =	sbarrier.arrive $0xFFFF  }
0x118: {  	_ =	shalt  }

// kernel: kernel.8.cloned.1.call-start
scs
__scs_entry_jumppad:
0x0: {  	(pc) =	sbr.rel $0x88, $3  }
0x1: {  	(tag) =	ssettag $0x0;
	lr =	simm.s32 $0x1  }
0x2: {  	[smem:$0x3F8E] =	sst lr;
	_ =	strace $0xD0000000  }
0x3: {  	_ = 	snop  }
0x4: {  	_ = 	snop  }
0x5: {  	_ = 	snop  }
0x6: {  	_ = 	snop  }
0x7: {  	_ = 	snop  }
__scs_overlays_trampoline_lowered:
0x8: {  	[smem:$0x3F9D] =	sst s0  }
0x9: {  	[smem:$0x3F9E] =	sst s1  }
0xa: {  	[smem:$0x3F9F] =	sst s2  }
0xb: {  	[smem:$0x3FA0] =	sst s3  }
0xc: {  	[smem:$0x3FA1] =	sst s4  }
0xd: {  	[smem:$0x3FA2] =	sst s5  }
0xe: {  	[smem:$0x3FA3] =	sst s6  }
0xf: {  	[smem:$0x3FA4] =	sst s7  }
0x10: {  	[smem:$0x3FA5] =	sst s8  }
0x11: {  	[smem:$0x3FA6] =	sst s9;
	s0 =	simm.s32 @!p0 $0x0  }
0x12: {  	s1 =	sld [smem:$0x3F8C];
	s0 =	simm.s32 @p0 $0x1  }
0x13: {  	[smem:$0x3FA7] =	sst s0;
	s0 =	simm.s32 @!p1 $0x0  }
0x14: {  	s2 =	sld [smem:$0x3F8B];
	s0 =	simm.s32 @p1 $0x1  }
0x15: {  	[smem:$0x3FA8] =	sst s0;
	s0 =	simm.s32 @!p2 $0x0  }
0x16: {  	s3 =	sld [smem:$0x3FDB];
	s0 =	simm.s32 @p2 $0x1  }
0x17: {  	s4 =	simm.s32 $0x1BF5;
	[smem:$0x3FAA] =	sst s0  }
0x18: {  	s0 =	sld [smem:$0x3F8D];
	_ =	swait.ge [sflag:s4], $0x0  }
0x19: {  	s7 =	sld [smem:$0x3F8E]  }
0x1a: {  	s8 =	sadd.s32 $0xFFFFE003, lr  }
0x1b: {  	s9 =	sadd.s32 $0xFFFFFEF7, lr;
	s5 =	simm.s32 $0xFFFFFFFF;
	p2 =	slt.u32 s8, $0xFFFFF086  }
0x1c: {  	p1 =	slt.u32 s9, $0xF7A;
	s5 =	simm.s32 @!p2 $0x0  }
0x1d: {  	s5 =	simm.s32 @p1 $0x1;
	p0 =	seq.s32 s7, s2  }
0x1e: {  	s7 =	smul.u32 @!p0 $0xF7A, s2;
	p2 =	seq.s32 @!p0 s5, $0x0  }
0x1f: {  	s9 =	smul.u32 $0xF7A, s1;
	s8 =	simm.s32 @!p0 $0x1BF5;
	p2 =	por !p2, p0  }
0x20: {  	[sflag:s8] =	ssyncset.s32 @!p0 $0xFFFFF086;
	s6 =	sadd.s32 @!p0 s3, s7;
	s7 =	simm.s32 @!p0 $0x108  }
0x21: {  	s3 =	sadd.s32 s3, s9;
	s6 =	sadd.s32 @!p0 $0x88, s6;
	s7 =	simm.s32 @p2 $0x1082  }
0x22: {  	[simem:s7], [sflag:s8] =	dma.local @!p0 [hbm:s6], $0xF7A  }
0x23: {  	s9 =	sor.u32 $0xD0000000, s2;
	s6 =	simm.s32 $0x108;
	_ =	swait.ge @!p0 [sflag:s8], $0x0  }
0x24: {  	s3 =	sadd.s32 $0x88, s3;
	s6 =	simm.s32 @!p1 $0x1082;
	[sflag:s4] =	ssyncset.s32 $0xFFFFF086  }
0x25: {  	[simem:s6], [sflag:s4] =	dma.local [hbm:s3], $0xF7A  }
0x26: {  	[smem:$0x3F8E] =	sst s1;
	(tag) =	ssettag s2;
	_ =	strace s9  }
0x27: {  	s1 =	sld [smem:$0x3F9E]  }
0x28: {  	s2 =	sld [smem:$0x3F9F]  }
0x29: {  	s4 =	sld [smem:$0x3FA1]  }
0x2a: {  	p0 =	seq.s32 s5, $0x0;
	s5 =	sld [smem:$0x3FA2]  }
0x2b: {  	s6 =	sld [smem:$0x3FA3]  }
0x2c: {  	s7 =	sld [smem:$0x3FA4]  }
0x2d: {  	s3 =	simm.s32 $0x108;
	s8 =	sld [smem:$0x3FA5]  }
0x2e: {  	s3 =	simm.s32 @!p0 $0x1082;
	s9 =	sld [smem:$0x3FA6]  }
0x2f: {  	lr =	sadd.s32 s0, s3;
	s0 =	sld [smem:$0x3F9D]  }
0x30: {  	s3 =	sld [smem:$0x3FA0]  }
0x31: {  	[smem:$0x3FA9] =	sst s10  }
0x32: {  	s10 =	sld [smem:$0x3FA7];
	_ =	sdelay $0x3  }
0x33: {  	p0 =	seq.s32 s10, $0x1;
	s10 =	sld [smem:$0x3FA9];
	_ =	sdelay $0x3  }
0x34: {  	[smem:$0x3FA9] =	sst s10  }
0x35: {  	s10 =	sld [smem:$0x3FA8];
	_ =	sdelay $0x3  }
0x36: {  	p1 =	seq.s32 s10, $0x1;
	s10 =	sld [smem:$0x3FA9];
	_ =	sdelay $0x3  }
0x37: {  	[smem:$0x3FA9] =	sst s10  }
0x38: {  	s10 =	sld [smem:$0x3FAA]  }
0x39: {  	_ = 	snop;
	(pc) =	sbr.ind lr, $3  }
0x3a: {  	_ = 	snop  }
0x3b: {  	_ = 	snop  }
0x3c: {  	p2 =	seq.s32 s10, $0x1;
	s10 =	sld [smem:$0x3FA9]  }
0x3d: {  	_ =	shalt  }
0x3e: {  	_ =	shalt  }
0x3f: {  	_ =	shalt  }
0x40: {  	_ =	shalt  }
0x41: {  	_ =	shalt  }
0x42: {  	_ =	shalt  }
0x43: {  	_ =	shalt  }
0x44: {  	_ =	shalt  }
0x45: {  	_ =	shalt  }
0x46: {  	_ =	shalt  }
0x47: {  	_ =	shalt  }
0x48: {  	_ =	shalt  }
0x49: {  	_ =	shalt  }
0x4a: {  	_ =	shalt  }
0x4b: {  	_ =	shalt  }
0x4c: {  	_ =	shalt  }
0x4d: {  	_ =	shalt  }
0x4e: {  	_ =	shalt  }
0x4f: {  	_ =	shalt  }
0x50: {  	_ =	shalt  }
0x51: {  	_ =	shalt  }
0x52: {  	_ =	shalt  }
0x53: {  	_ =	shalt  }
0x54: {  	_ =	shalt  }
0x55: {  	_ =	shalt  }
0x56: {  	_ =	shalt  }
0x57: {  	_ =	shalt  }
0x58: {  	_ =	shalt  }
0x59: {  	_ =	shalt  }
0x5a: {  	_ =	shalt  }
0x5b: {  	_ =	shalt  }
0x5c: {  	_ =	shalt  }
0x5d: {  	_ =	shalt  }
0x5e: {  	_ =	shalt  }
0x5f: {  	_ =	shalt  }
0x60: {  	_ =	shalt  }
0x61: {  	_ =	shalt  }
0x62: {  	_ =	shalt  }
0x63: {  	_ =	shalt  }
0x64: {  	_ =	shalt  }
0x65: {  	_ =	shalt  }
0x66: {  	_ =	shalt  }
0x67: {  	_ =	shalt  }
0x68: {  	_ =	shalt  }
0x69: {  	_ =	shalt  }
0x6a: {  	_ =	shalt  }
0x6b: {  	_ =	shalt  }
0x6c: {  	_ =	shalt  }
0x6d: {  	_ =	shalt  }
0x6e: {  	_ =	shalt  }
0x6f: {  	_ =	shalt  }
0x70: {  	_ =	shalt  }
0x71: {  	_ =	shalt  }
0x72: {  	_ =	shalt  }
0x73: {  	_ =	shalt  }
0x74: {  	_ =	shalt  }
0x75: {  	_ =	shalt  }
0x76: {  	_ =	shalt  }
0x77: {  	_ =	shalt  }
0x78: {  	_ =	shalt  }
0x79: {  	_ =	shalt  }
0x7a: {  	_ =	shalt  }
0x7b: {  	_ =	shalt  }
0x7c: {  	_ =	shalt  }
0x7d: {  	_ =	shalt  }
0x7e: {  	_ =	shalt  }
0x7f: {  	_ =	shalt  }
0x80: {  	_ =	shalt  }
0x81: {  	_ =	shalt  }
0x82: {  	_ =	shalt  }
0x83: {  	_ =	shalt  }
0x84: {  	_ =	shalt  }
0x85: {  	_ =	shalt  }
0x86: {  	_ =	shalt  }
0x87: {  	_ =	shalt  }
.Lfunc_end0:
.L_simem_size_0:
called_computation_lowered:
.L_overlay_start_0:
0x88: {  	s2 =	sld [smem:$0x3FD9]  }
0x89: {  	s3 =	sld [smem:$0x3FFE];
	_ =	sdelay $0x1  }
0x8a: {  	s1 =	srdreg.scid  }
0x8b: {  	s0 =	sand.u32 $0x1, s1  }
0x8c: {  	s14 =	sshll.u32 s0, $0xA;
	s2 =	sadd.s32 s3, s2  }
0x8d: {  	s2 =	sadd.s32 s2, s14  }
0x8e: {  	[smem:$0x3FB5] =	sst s2  }
0x8f: {  	_ = 	snop  }
0x90: {  	s2 =	sld [smem:$0x3FD0];
	_ =	sdelay $0x2  }
0x91: {  	s15 =	simm.s32 $0xB;
	s4 =	simm.s32 $0x10  }
0x92: {  	[smem:s4], [sflag:s15] =	dma.local [hbm:s2], $0x1  }
0x93: {  	_ =	swait.eq [sflag:s15], $0x1  }
0x94: {  	[sflag:s15] =	ssyncset.done $0x0  }
0x95: {  	s16 =	sld [smem:$0x10];
	[sflag:s15] =	ssyncadd.s32 $0xFFFFFFFF  }
0x96: {  	s17 =	sld [smem:$0x11];
	(tm) =	ssettm $0x1  }
0x97: {  	s18 =	sld [smem:$0x3FFB];
	_ =	sdelay $0x3  }
0x98: {  	_ =	strace s18  }
0x99: {  	s4 =	sld [smem:$0x3FFC];
	_ =	sdelay $0x3  }
0x9a: {  	_ =	strace s4  }
0x9b: {  	s4 =	sld [smem:$0x3FFD];
	_ =	sdelay $0x3  }
0x9c: {  	_ =	strace s4  }
0x9d: {  	_ =	strace $0x8FFFFFFF  }
0x9e: {  	s19 =	sld [smem:$0x3FDB];
	_ =	sdelay $0x1  }
0x9f: {  	s5 =	simm.s32 $_scs_section_size  }
0xa0: {  	s6 =	simm.s32 $_size__tile_overlayer_lowered;
	s7 =	simm.s32 $_tile_overlayer_lowered  }
0xa1: {  	s22 =	simm.s32 $0x1BFF;
	s21 =	sshll.u32 s7, $0x1;
	s4 =	sadd.s32 s5, s19  }
0xa2: {  	s8 =	simm.s32 $0x0;
	s20 =	sshll.u32 s6, $0x1;
	s6 =	sadd.s32 s21, s4  }
0xa3: {  	[timem:s8], [sflag:s22] =	dma.local [hbm:s6], s20  }
0xa4: {  	_ =	swait.ge [sflag:s22], s20  }
0xa5: {  	s5 =	ssub.s32 $0x0, s20;
	[sflag:s22] =	ssyncset.done $0x0  }
0xa6: {  	[sflag:s22] =	ssyncadd.s32 s5;
	_ =	sdelay $0x1  }
0xa7: {  	s23 =	simm.s32 $0x1B8B  }
0xa8: {  	_ =	swait.ge [sflag:s23], $0x1  }
0xa9: {  	[sflag:s23] =	ssyncset.done $0x0  }
0xaa: {  	s25 =	simm.s32 $0x1B8E;
	s24 =	sld [smem:$0x3FFE];
	[sflag:s23] =	ssyncadd.s32 $0xFFFFFFFF  }
0xab: {  	s26 =	simm.s32 $execute0_lowered;
	[smem:$0x3FD2] =	sst s25  }
0xac: {  	s6 =	sshll.u32 s26, $0x1;
	_ =	strace $0x80000046;
	[dreg:$0x1] =	wrdreg $0xFFFFFFFF  }
0xad: {  	s28 =	simm.s32 $_size_execute0_lowered;
	s4 =	sadd.s32 s4, s6;
	[dreg:$0x0] =	wrdreg $0x0  }
0xae: {  	s6 =	sshll.u32 s28, $0x1;
	[dreg:$0x2] =	wrdreg s4  }
0xaf: {  	[dreg:$0x3] =	wrdreg s6  }
0xb0: {  	[dreg:$0x4] =	wrdreg $0xC0  }
0xb1: {  	_ =	task [dreg:s8], $0x5FFFF  }
0xb2: {  	[dreg:$0x1] =	wrdreg $0xFFFFFFFF  }
0xb3: {  	[dreg:$0x0] =	wrdreg $0x60  }
0xb4: {  	[dreg:$0x2] =	wrdreg s16  }
0xb5: {  	[dreg:$0x3] =	wrdreg s17  }
0xb6: {  	[dreg:$0x4] =	wrdreg s24  }
0xb7: {  	[dreg:$0x5] =	wrdreg $0xA  }
0xb8: {  	_ =	task.clear_ibuf [dreg:s8], $0x6FFFF;
	_ =	strace $0x90000046  }
0xb9: {  	s29 =	simm.s32 $0xA;
	_ =	strace $0x80000048  }
0xba: {  	_ =	swait.ge [sflag:s29], $0x1  }
0xbb: {  	[sflag:s29] =	ssyncadd.s32 $0xFFFFFFFF  }
0xbc: {  	_ =	strace $0x90000048  }
0xbd: {  	_ =	sfence  }
0xbe: {  	s30 =	sld [smem:$0x0];
	_ =	sdelay $0x2  }
0xbf: {  	s31 =	sshll.u32 s1, $0xD;
	s1 =	sshrl.u32 s1, $0x2  }
0xc0: {  	s3 =	sand.u32 $0x4000, s31;
	s1 =	sadd.s32 s1, s30  }
0xc1: {  	s0 =	sor.u32 s3, s0;
	s1 =	sshll.u32 s1, $0x11  }
0xc2: {  	s0 =	sor.u32 s1, s0  }
0xc3: {  	s0 =	sadd.s32 $0x8F2B, s0  }
0xc4: {  	[sflag:s0] =	ssyncadd.remote.s32 $0x1  }
0xc5: {  	_ =	sfence.sel $0xFFFF  }
0xc6: {  	[dreg:$0x0] =	wrdreg $0xFFFFFFFF;
	(pc) =	sbr.abs _section_cstart, $3  }
0xc7: {  	[dreg:$0x1] =	wrdreg $0xFFFFFFFF  }
0xc8: {  	_ =	task.clear_ibuf [dreg:s8], $0x2FFFF;
	_ =	strace $0x9FFFFFFF  }
0xc9: {  	(tm) =	ssettm $0x7FFFFFFF  }
tec
execute0_lowered:
.L_overlay_start_1:
0x0: {  	(tag) =	ssettag $0x1  }
0x1: {  	s1 =	rddreg [dreg:$0x0]  }
0x2: {  	s2 =	rddreg [dreg:$0x1]  }
0x3: {  	s3 =	rddreg [dreg:$0x2]  }
0x4: {  	s0 =	srdreg.scid;
	s4 =	simm.s32 $0x0;
	s15 =	stileid.u32  }
0x5: {  	s16 =	simm.s32 $0x80;
	s17 =	simm.s32 $0x50;
	s18 =	simm.s32 $0x200  }
0x6: {  	s19 =	simm.s32 $0x2A00;
	s20 =	simm.s32 $0x100;
	s21 =	simm.s32 $0x180  }
0x7: {  	s22 =	simm.s32 $0x5200;
	s23 =	simm.s32 $0x7A00;
	s28 =	simm.s32 $0x4  }
0x8: {  	s29 =	simm.s32 $0x0;
	s6 =	sand.u32 $0x1, s0;
	s14 =	smul.u32 $0x2710, s15  }
0x9: {  	[smem:$0x7FF] =	sst s4;
	s5 =	sadd.s32 $0x3E00, s3;
	s30 =	smul.u32 $0x27100, s15  }
0xa: {  	s12 =	sadd.s32 $0x17A00, s3;
	s0 =	sshll.u32 s6, $0x4;
	s13 =	smul.u32 $0x271000, s6  }
0xb: {  	s8 =	ssub.s32 $0x2, s6;
	s6 =	smul.u32 $0x27100, s6;
	s0 =	sor.u32 s15, s0  }
0xc: {  	_ =	strace $0x80000047;
	s9 =	sshrl.u32 s8, $0x1;
	s7 =	smul.u32 $0x2710, s0  }
0xd: {  	s15 =	simm.s32 $0x5;
	s0 =	sadd.s32 $0xDC00, s3;
	s3 =	sadd.s32 $0x4F9A00, s3  }
0xe: {  	s11 =	ssub.s32 s8, s9;
	s6 =	sadd.s32 s14, s6;
	s7 =	sadd.s32 $0x26C0, s7  }
0xf: {  	s11 =	smax.u32 s11, $0x1;
	s31 =	sadd.s32 $0x50, s6;
	s10 =	sshrl.u32 s7, $0x3  }
0x10: {  	s14 =	sshrl.u32 s6, $0x3;
	s7 =	sshll.u32 s7, $0x4;
	s24 =	sadd.s32 s5, s10  }
0x11: {  	s25 =	sadd.s32 s0, s10;
	s26 =	sadd.s32 s12, s7;
	[dreg:$0x5] =	wrdreg s24  }
0x12: {  	s10 =	sadd.s32 s3, s7;
	s12 =	sadd.s32 s13, s12;
	[dreg:$0x6] =	wrdreg s25  }
0x13: {  	s3 =	sadd.s32 s13, s3;
	s13 =	sshrl.u32 s31, $0x3;
	[dreg:$0x7] =	wrdreg s26  }
0x14: {  	s12 =	sadd.s32 s30, s12;
	s24 =	simm.s32 $0x1;
	s25 =	simm.s32 $0x2  }
0x15: {  	s26 =	simm.s32 $0x3;
	[dreg:$0x4] =	wrdreg s12;
	s12 =	sadd.s32 s30, s3  }
.LBB2_1:
0x16: {  	s3 =	sadd.s32 s5, s14  }
0x17: {  	[tilespmem:s4], [sflag:$0x5] =	stream.linear.gather [hbm4b:s3+s4], $0x50, $0x38;
	[tilespmem:$0xA200] =	vst v63  }
0x18: {  	_ =	swait.ge [sflag:s15], $0x50  }
0x19: {  	[sflag:s15] =	ssyncset.done $0x0  }
0x1a: {  	s9 =	sadd.s32 s0, s14;
	[sflag:s15] =	ssyncadd.s32 $0xFFFFFFB0  }
0x1b: {  	[tilespmem:s16], [sflag:$0x5] =	stream.linear.gather [hbm4b:s9+s4], $0x50, $0x38;
	[tilespmem:$0xA200] =	vst v63  }
0x1c: {  	_ =	swait.ge [sflag:s15], $0x50  }
0x1d: {  	[sflag:s15] =	ssyncset.done $0x0  }
0x1e: {  	[sflag:s15] =	ssyncadd.s32 $0xFFFFFFB0  }
0x1f: {  	[tilespmem:s18], [sflag:$0x1] =	stream.indirect.gather [hbm4b:s1+s17], $0x80, s4, s17, $0xb8;
	[tilespmem:$0xA200] =	vst v63  }
0x20: {  	_ = 	snop  }
0x21: {  	[tilespmem:s19], [sflag:$0x2] =	stream.indirect.gather [hbm4b:s2+s17], $0x80, s16, s17, $0xb8;
	[tilespmem:$0xA200] =	vst v63  }
0x22: {  	s6 =	sadd.s32 s5, s13  }
0x23: {  	[tilespmem:s20], [sflag:$0x5] =	stream.linear.gather [hbm4b:s6+s4], $0x50, $0x38;
	[tilespmem:$0xA200] =	vst v63  }
0x24: {  	_ =	swait.ge [sflag:s15], $0x50  }
0x25: {  	[sflag:s15] =	ssyncset.done $0x0  }
0x26: {  	s7 =	sadd.s32 s0, s13;
	[sflag:s15] =	ssyncadd.s32 $0xFFFFFFB0  }
0x27: {  	[tilespmem:s21], [sflag:$0x5] =	stream.linear.gather [hbm4b:s7+s4], $0x50, $0x38;
	[tilespmem:$0xA200] =	vst v63  }
0x28: {  	_ =	swait.ge [sflag:s15], $0x50  }
0x29: {  	[sflag:s15] =	ssyncset.done $0x0  }
0x2a: {  	[sflag:s15] =	ssyncadd.s32 $0xFFFFFFB0  }
0x2b: {  	[tilespmem:s22], [sflag:$0x3] =	stream.indirect.gather [hbm4b:s1+s17], $0x80, s20, s17, $0xb8;
	[tilespmem:$0xA200] =	vst v63  }
0x2c: {  	_ = 	snop  }
0x2d: {  	[tilespmem:s23], [sflag:$0x4] =	stream.indirect.gather [hbm4b:s2+s17], $0x80, s21, s17, $0xb8;
	[tilespmem:$0xA200] =	vst v63  }
0x2e: {  	_ =	swait.ge [sflag:s24], $0x2800  }
0x2f: {  	[sflag:s24] =	ssyncset.done $0x0  }
0x30: {  	[sflag:s24] =	ssyncadd.s32 $0xFFFFD800  }
0x31: {  	_ =	swait.ge [sflag:s25], $0x2800  }
0x32: {  	s8 =	rddreg [dreg:$0x4];
	[sflag:s25] =	ssyncset.done $0x0  }
0x33: {  	[sflag:s25] =	ssyncadd.s32 $0xFFFFD800;
	s3 =	sadd.s32 $0x0, s8  }
0x34: {  	[hbm4b:s3+s4] =	stream.linear.scatter [tilespmem:s18], [sflag:$0x5], $0x2800, $0x38;
	[tilespmem:$0xA200] =	vst v63  }
0x35: {  	_ =	swait.ge [sflag:s15], $0x2800  }
0x36: {  	[sflag:s15] =	ssyncset.done $0x0  }
0x37: {  	s6 =	sadd.s32 $0x0, s12;
	[sflag:s15] =	ssyncadd.s32 $0xFFFFD800  }
0x38: {  	[hbm4b:s6+s4] =	stream.linear.scatter [tilespmem:s19], [sflag:$0x5], $0x2800, $0x38;
	[tilespmem:$0xA200] =	vst v63  }
0x39: {  	_ =	swait.ge [sflag:s15], $0x2800  }
0x3a: {  	[sflag:s15] =	ssyncset.done $0x0  }
0x3b: {  	[sflag:s15] =	ssyncadd.s32 $0xFFFFD800  }
0x3c: {  	_ =	swait.ge [sflag:s26], $0x2800  }
0x3d: {  	[sflag:s26] =	ssyncset.done $0x0  }
0x3e: {  	[sflag:s26] =	ssyncadd.s32 $0xFFFFD800  }
0x3f: {  	_ =	swait.ge [sflag:s28], $0x2800  }
0x40: {  	[sflag:s28] =	ssyncset.done $0x0  }
0x41: {  	s3 =	sadd.s32 $0x500, s3;
	[sflag:s28] =	ssyncadd.s32 $0xFFFFD800  }
0x42: {  	[hbm4b:s3+s4] =	stream.linear.scatter [tilespmem:s22], [sflag:$0x5], $0x2800, $0x38;
	[tilespmem:$0xA200] =	vst v63  }
0x43: {  	_ =	swait.ge [sflag:s15], $0x2800  }
0x44: {  	[sflag:s15] =	ssyncset.done $0x0  }
0x45: {  	s9 =	sadd.s32 $0x500, s6;
	[sflag:s15] =	ssyncadd.s32 $0xFFFFD800  }
0x46: {  	[hbm4b:s9+s4] =	stream.linear.scatter [tilespmem:s23], [sflag:$0x5], $0x2800, $0x38;
	[tilespmem:$0xA200] =	vst v63  }
0x47: {  	s30 =	simm.s32 $0xA00;
	s31 =	sadd.s32 $0x14, s5;
	_ =	swait.ge [sflag:s15], $0x2800  }
0x48: {  	s6 =	smov.u32 s0;
	s3 =	simm.s32 $0x1400;
	[sflag:s15] =	ssyncset.done $0x0  }
.LBB2_2:
0x49: {  	s8 =	sadd.s32 s31, s14;
	[sflag:s15] =	ssyncadd.s32 $0xFFFFD800  }
0x4a: {  	[tilespmem:s4], [sflag:$0x5] =	stream.linear.gather [hbm4b:s8+s4], $0x50, $0x38;
	[tilespmem:$0xA200] =	vst v63  }
0x4b: {  	_ =	swait.ge [sflag:s15], $0x50  }
0x4c: {  	s6 =	sadd.s32 $0x14, s6;
	[sflag:s15] =	ssyncset.done $0x0  }
0x4d: {  	s9 =	sadd.s32 s6, s14;
	[sflag:s15] =	ssyncadd.s32 $0xFFFFFFB0  }
0x4e: {  	[tilespmem:s16], [sflag:$0x5] =	stream.linear.gather [hbm4b:s9+s4], $0x50, $0x38;
	[tilespmem:$0xA200] =	vst v63  }
0x4f: {  	_ =	swait.ge [sflag:s15], $0x50  }
0x50: {  	[sflag:s15] =	ssyncset.done $0x0  }
0x51: {  	[sflag:s15] =	ssyncadd.s32 $0xFFFFFFB0  }
0x52: {  	[tilespmem:s18], [sflag:$0x1] =	stream.indirect.gather [hbm4b:s1+s17], $0x80, s4, s17, $0xb8;
	[tilespmem:$0xA200] =	vst v63  }
0x53: {  	_ = 	snop  }
0x54: {  	[tilespmem:s19], [sflag:$0x2] =	stream.indirect.gather [hbm4b:s2+s17], $0x80, s16, s17, $0xb8;
	[tilespmem:$0xA200] =	vst v63  }
0x55: {  	s9 =	sadd.s32 s31, s13  }
0x56: {  	[tilespmem:s20], [sflag:$0x5] =	stream.linear.gather [hbm4b:s9+s4], $0x50, $0x38;
	[tilespmem:$0xA200] =	vst v63  }
0x57: {  	_ =	swait.ge [sflag:s15], $0x50  }
0x58: {  	[sflag:s15] =	ssyncset.done $0x0  }
0x59: {  	s9 =	sadd.s32 s6, s13;
	[sflag:s15] =	ssyncadd.s32 $0xFFFFFFB0  }
0x5a: {  	[tilespmem:s21], [sflag:$0x5] =	stream.linear.gather [hbm4b:s9+s4], $0x50, $0x38;
	[tilespmem:$0xA200] =	vst v63  }
0x5b: {  	_ =	swait.ge [sflag:s15], $0x50  }
0x5c: {  	[sflag:s15] =	ssyncset.done $0x0  }
0x5d: {  	[sflag:s15] =	ssyncadd.s32 $0xFFFFFFB0  }
0x5e: {  	[tilespmem:s22], [sflag:$0x3] =	stream.indirect.gather [hbm4b:s1+s17], $0x80, s20, s17, $0xb8;
	[tilespmem:$0xA200] =	vst v63  }
0x5f: {  	_ = 	snop  }
0x60: {  	[tilespmem:s23], [sflag:$0x4] =	stream.indirect.gather [hbm4b:s2+s17], $0x80, s21, s17, $0xb8;
	[tilespmem:$0xA200] =	vst v63  }
0x61: {  	_ =	swait.ge [sflag:s24], $0x2800  }
0x62: {  	[sflag:s24] =	ssyncset.done $0x0  }
0x63: {  	[sflag:s24] =	ssyncadd.s32 $0xFFFFD800  }
0x64: {  	_ =	swait.ge [sflag:s25], $0x2800  }
0x65: {  	s9 =	rddreg [dreg:$0x4];
	[sflag:s25] =	ssyncset.done $0x0  }
0x66: {  	[sflag:s25] =	ssyncadd.s32 $0xFFFFD800;
	s8 =	sadd.s32 s30, s9  }
0x67: {  	[hbm4b:s8+s4] =	stream.linear.scatter [tilespmem:s18], [sflag:$0x5], $0x2800, $0x38;
	[tilespmem:$0xA200] =	vst v63  }
0x68: {  	_ =	swait.ge [sflag:s15], $0x2800  }
0x69: {  	[sflag:s15] =	ssyncset.done $0x0  }
0x6a: {  	s9 =	sadd.s32 s30, s12;
	[sflag:s15] =	ssyncadd.s32 $0xFFFFD800  }
0x6b: {  	[hbm4b:s9+s4] =	stream.linear.scatter [tilespmem:s19], [sflag:$0x5], $0x2800, $0x38;
	[tilespmem:$0xA200] =	vst v63  }
0x6c: {  	_ =	swait.ge [sflag:s15], $0x2800  }
0x6d: {  	[sflag:s15] =	ssyncset.done $0x0  }
0x6e: {  	[sflag:s15] =	ssyncadd.s32 $0xFFFFD800  }
0x6f: {  	_ =	swait.ge [sflag:s26], $0x2800  }
0x70: {  	[sflag:s26] =	ssyncset.done $0x0  }
0x71: {  	[sflag:s26] =	ssyncadd.s32 $0xFFFFD800  }
0x72: {  	_ =	swait.ge [sflag:s28], $0x2800  }
0x73: {  	[sflag:s28] =	ssyncset.done $0x0  }
0x74: {  	s8 =	sadd.s32 $0x500, s8;
	[sflag:s28] =	ssyncadd.s32 $0xFFFFD800  }
0x75: {  	[hbm4b:s8+s4] =	stream.linear.scatter [tilespmem:s22], [sflag:$0x5], $0x2800, $0x38;
	[tilespmem:$0xA200] =	vst v63  }
0x76: {  	p0 =	sne.s32 s3, $0x26200;
	_ =	swait.ge [sflag:s15], $0x2800  }
.Ltmp0:
0x77: {  	[sflag:s15] =	ssyncset.done $0x0;
	(pc) =	sbr.rel @p0 .LBB2_2-.Ltmp0, $4  }
0x78: {  	s9 =	sadd.s32 $0x500, s9;
	[sflag:s15] =	ssyncadd.s32 $0xFFFFD800  }
0x79: {  	[hbm4b:s9+s4] =	stream.linear.scatter [tilespmem:s23], [sflag:$0x5], $0x2800, $0x38;
	[tilespmem:$0xA200] =	vst v63  }
0x7a: {  	s7 =	smov.u32 s3;
	s3 =	sadd.s32 $0xA00, s3;
	_ =	swait.ge [sflag:s15], $0x2800  }
0x7b: {  	s31 =	sadd.s32 $0x14, s31;
	s30 =	smov.u32 s7;
	[sflag:s15] =	ssyncset.done $0x0  }
0x7c: {  	s3 =	sadd.s32 s31, s14;
	[sflag:s15] =	ssyncadd.s32 $0xFFFFD800  }
0x7d: {  	[tilespmem:s4], [sflag:$0x5] =	stream.linear.gather [hbm4b:s3+s4], $0x50, $0x38;
	[tilespmem:$0xA200] =	vst v63  }
0x7e: {  	_ =	swait.ge [sflag:s15], $0x50  }
0x7f: {  	s9 =	sadd.s32 $0x14, s6;
	[sflag:s15] =	ssyncset.done $0x0  }
0x80: {  	s6 =	sadd.s32 s9, s14;
	[sflag:s15] =	ssyncadd.s32 $0xFFFFFFB0  }
0x81: {  	[tilespmem:s16], [sflag:$0x5] =	stream.linear.gather [hbm4b:s6+s4], $0x50, $0x38;
	[tilespmem:$0xA200] =	vst v63  }
0x82: {  	_ =	swait.ge [sflag:s15], $0x50  }
0x83: {  	[sflag:s15] =	ssyncset.done $0x0  }
0x84: {  	[sflag:s15] =	ssyncadd.s32 $0xFFFFFFB0  }
0x85: {  	[tilespmem:s18], [sflag:$0x1] =	stream.indirect.gather [hbm4b:s1+s17], $0x80, s4, s17, $0xb8;
	[tilespmem:$0xA200] =	vst v63  }
0x86: {  	_ = 	snop  }
0x87: {  	[tilespmem:s19], [sflag:$0x2] =	stream.indirect.gather [hbm4b:s2+s17], $0x80, s16, s17, $0xb8;
	[tilespmem:$0xA200] =	vst v63  }
0x88: {  	s31 =	sadd.s32 s31, s13  }
0x89: {  	[tilespmem:s20], [sflag:$0x5] =	stream.linear.gather [hbm4b:s31+s4], $0x50, $0x38;
	[tilespmem:$0xA200] =	vst v63  }
0x8a: {  	_ =	swait.ge [sflag:s15], $0x50  }
0x8b: {  	[sflag:s15] =	ssyncset.done $0x0  }
0x8c: {  	s3 =	sadd.s32 s9, s13;
	[sflag:s15] =	ssyncadd.s32 $0xFFFFFFB0  }
0x8d: {  	[tilespmem:s21], [sflag:$0x5] =	stream.linear.gather [hbm4b:s3+s4], $0x50, $0x38;
	[tilespmem:$0xA200] =	vst v63  }
0x8e: {  	_ =	swait.ge [sflag:s15], $0x50  }
0x8f: {  	[sflag:s15] =	ssyncset.done $0x0  }
0x90: {  	[sflag:s15] =	ssyncadd.s32 $0xFFFFFFB0  }
0x91: {  	[tilespmem:s22], [sflag:$0x3] =	stream.indirect.gather [hbm4b:s1+s17], $0x80, s20, s17, $0xb8;
	[tilespmem:$0xA200] =	vst v63  }
0x92: {  	_ = 	snop  }
0x93: {  	[tilespmem:s23], [sflag:$0x4] =	stream.indirect.gather [hbm4b:s2+s17], $0x80, s21, s17, $0xb8;
	[tilespmem:$0xA200] =	vst v63  }
0x94: {  	_ =	swait.ge [sflag:s24], $0x2800  }
0x95: {  	[sflag:s24] =	ssyncset.done $0x0  }
0x96: {  	[sflag:s24] =	ssyncadd.s32 $0xFFFFD800  }
0x97: {  	_ =	swait.ge [sflag:s25], $0x2800  }
0x98: {  	s6 =	rddreg [dreg:$0x4];
	[sflag:s25] =	ssyncset.done $0x0  }
0x99: {  	[sflag:s25] =	ssyncadd.s32 $0xFFFFD800;
	s3 =	sadd.s32 s30, s6  }
0x9a: {  	[hbm4b:s3+s4] =	stream.linear.scatter [tilespmem:s18], [sflag:$0x5], $0x2800, $0x38;
	[tilespmem:$0xA200] =	vst v63  }
0x9b: {  	_ =	swait.ge [sflag:s15], $0x2800  }
0x9c: {  	[sflag:s15] =	ssyncset.done $0x0  }
0x9d: {  	s7 =	sadd.s32 s30, s12;
	[sflag:s15] =	ssyncadd.s32 $0xFFFFD800  }
0x9e: {  	[hbm4b:s7+s4] =	stream.linear.scatter [tilespmem:s19], [sflag:$0x5], $0x2800, $0x38;
	[tilespmem:$0xA200] =	vst v63  }
0x9f: {  	_ =	swait.ge [sflag:s15], $0x2800  }
0xa0: {  	[sflag:s15] =	ssyncset.done $0x0  }
0xa1: {  	[sflag:s15] =	ssyncadd.s32 $0xFFFFD800  }
0xa2: {  	_ =	swait.ge [sflag:s26], $0x2800  }
0xa3: {  	[sflag:s26] =	ssyncset.done $0x0  }
0xa4: {  	[sflag:s26] =	ssyncadd.s32 $0xFFFFD800  }
0xa5: {  	_ =	swait.ge [sflag:s28], $0x2800  }
0xa6: {  	[sflag:s28] =	ssyncset.done $0x0  }
0xa7: {  	s3 =	sadd.s32 $0x500, s3;
	[sflag:s28] =	ssyncadd.s32 $0xFFFFD800  }
0xa8: {  	[hbm4b:s3+s4] =	stream.linear.scatter [tilespmem:s22], [sflag:$0x5], $0x2800, $0x38;
	[tilespmem:$0xA200] =	vst v63  }
0xa9: {  	_ =	swait.ge [sflag:s15], $0x2800  }
0xaa: {  	[sflag:s15] =	ssyncset.done $0x0  }
0xab: {  	s8 =	sadd.s32 $0x500, s7;
	[sflag:s15] =	ssyncadd.s32 $0xFFFFD800  }
0xac: {  	[hbm4b:s8+s4] =	stream.linear.scatter [tilespmem:s23], [sflag:$0x5], $0x2800, $0x38;
	[tilespmem:$0xA200] =	vst v63  }
0xad: {  	_ =	swait.ge [sflag:s15], $0x2800  }
0xae: {  	[sflag:s15] =	ssyncset.done $0x0  }
0xaf: {  	s9 =	rddreg [dreg:$0x5];
	[sflag:s15] =	ssyncadd.s32 $0xFFFFD800  }
0xb0: {  	[tilespmem:s4], [sflag:$0x5] =	stream.linear.gather [hbm4b:s9+s4], $0x50, $0x38;
	[tilespmem:$0xA200] =	vst v63  }
0xb1: {  	_ =	swait.ge [sflag:s15], $0x50  }
0xb2: {  	[sflag:s15] =	ssyncset.done $0x0  }
0xb3: {  	s30 =	rddreg [dreg:$0x6];
	[sflag:s15] =	ssyncadd.s32 $0xFFFFFFB0  }
0xb4: {  	[tilespmem:s16], [sflag:$0x5] =	stream.linear.gather [hbm4b:s30+s4], $0x50, $0x38;
	[tilespmem:$0xA200] =	vst v63  }
0xb5: {  	_ =	swait.ge [sflag:s15], $0x50  }
0xb6: {  	[sflag:s15] =	ssyncset.done $0x0  }
0xb7: {  	[sflag:s15] =	ssyncadd.s32 $0xFFFFFFB0  }
0xb8: {  	[tilespmem:s18], [sflag:$0x1] =	stream.indirect.gather [hbm4b:s1+s17], $0x80, s4, s17, $0xb8;
	[tilespmem:$0xA200] =	vst v63  }
0xb9: {  	_ = 	snop  }
0xba: {  	[tilespmem:s19], [sflag:$0x2] =	stream.indirect.gather [hbm4b:s2+s17], $0x80, s16, s17, $0xb8;
	[tilespmem:$0xA200] =	vst v63  }
0xbb: {  	_ =	swait.ge [sflag:s24], $0x2800  }
0xbc: {  	[sflag:s24] =	ssyncset.done $0x0  }
0xbd: {  	[sflag:s24] =	ssyncadd.s32 $0xFFFFD800  }
0xbe: {  	_ =	swait.ge [sflag:s25], $0x2800  }
0xbf: {  	[sflag:s25] =	ssyncset.done $0x0  }
0xc0: {  	s31 =	rddreg [dreg:$0x7];
	[sflag:s25] =	ssyncadd.s32 $0xFFFFD800  }
0xc1: {  	[hbm4b:s31+s4] =	stream.linear.scatter [tilespmem:s18], [sflag:$0x5], $0x2800, $0x38;
	[tilespmem:$0xA200] =	vst v63  }
0xc2: {  	s29 =	sadd.s32 $0x1, s29;
	_ =	swait.ge [sflag:s15], $0x2800  }
0xc3: {  	p0 =	sne.s32 s29, s11;
	[sflag:s15] =	ssyncset.done $0x0  }
.Ltmp1:
0xc4: {  	[sflag:s15] =	ssyncadd.s32 $0xFFFFD800;
	(pc) =	sbr.rel @p0 .LBB2_1-.Ltmp1, $4  }
0xc5: {  	[hbm4b:s10+s4] =	stream.linear.scatter [tilespmem:s19], [sflag:$0x5], $0x2800, $0x38;
	[tilespmem:$0xA200] =	vst v63  }
0xc6: {  	_ =	swait.ge [sflag:s15], $0x2800  }
0xc7: {  	[sflag:s15] =	ssyncset.done $0x0  }
0xc8: {  	[sflag:s15] =	ssyncadd.s32 $0xFFFFD800  }
0xc9: {  	_ =	sfence.sel $0x180000  }
0xca: {  	[bflag:$0x0] =	sbarrier.arrive $0xFFFF  }
0xcb: {  	_ =	strace $0x90000047  }
0xcc: {  	s0 =	stileid.u32;
	[bflag:$0x2] =	sbarrier.arrive $0xFFFF  }
0xcd: {  	p0 =	sne.s32 s0, $0x0;
	s0 =	rddreg [dreg:$0x3]  }
0xce: {  	s0 =	sadd.s32 @!p0 $0x100000, s0  }
0xcf: {  	[sflag:s0] =	ssyncadd.tile.s32 @!p0 $0x1;
	_ =	shalt  }
.Lfunc_end2:
_tile_overlayer_lowered:
.L_overlay_start_2:
0xd0: {  	(tag) =	ssettag $0x2  }
0xd1: {  	s0 =	rddreg [dreg:$0x0];
	s2 =	stileid.u32  }
0xd2: {  	s1 =	rddreg [dreg:$0x1];
	p0 =	sne.s32 s2, $0x0  }
0xd3: {  	s3 =	rddreg [dreg:$0x2];
	[bflag:$0x3] =	sbarrier.arrive $0xFFFF;
	s2 =	simm.s32 @!p0 $0x1C05  }
0xd4: {  	[timem:s3], [sflag:s2] =	dma.local @!p0 [hbm:s0], s1  }
0xd5: {  	s0 =	simm.s32 @!p0 $0x5  }
0xd6: {  	_ =	swait.ge @!p0 [sflag:s0], s1  }
0xd7: {  	s1 =	ssub.s32 @!p0 $0x0, s1;
	[sflag:s0] =	ssyncset.done @!p0 $0x0  }
0xd8: {  	[sflag:s0] =	ssyncadd.s32 @!p0 s1  }
0xd9: {  	[bflag:$0x3] =	sbarrier.arrive $0xFFFF  }
0xda: {  	_ =	shalt  }

</sc_bundles>
